<compile_context>
chip_gen: v7x
topology: tpu7x:2x2x1
jax: 0.10.2.dev20260603
libtpu: 0.0.44.dev20260713+nightly
codegen_flags: <defaults>
</compile_context>

<pallas_src>
import functools

import jax
import jax.numpy as jnp
from jax import lax
from jax.experimental import pallas as pl
from jax.experimental.pallas import tpu as pltpu
from jax.experimental.pallas import tpu_sc as plsc

_REL_THR = 1000
_NCA = 9
_NCA_PAD = 16
_B = 4
_C = 128
_S = 21760
_N = _S * _NCA
_N2 = _N // 2
_CHUNK = 19584
_CAND = 1024
_NUM_ANCHORS = _S * _NCA


def _proj_body(x_ref, wpre_ref, bpre_ref, wproj_ref, bproj_ref, lg_ref, ft_ref):
    x = x_ref[0]
    pre = lax.dot_general(x, wpre_ref[...], (((0,), (1,)), ((), ())),
                          preferred_element_type=jnp.float32)
    pre = jnp.maximum(pre + bpre_ref[...][None, :], 0.0)
    lg = lax.dot_general(pre, wproj_ref[...], (((1,), (1,)), ((), ())),
                         preferred_element_type=jnp.float32)
    lg_ref[0] = lg + bproj_ref[...][None, :]
    ft_ref[0] = x.T


def _proj_map(x, wpre, bpre, wprojp, bprojp, sblk):
    B, C, S = x.shape
    nblk = S // sblk
    grid = (B, nblk)
    return pl.pallas_call(
        _proj_body,
        grid=grid,
        in_specs=[
            pl.BlockSpec((1, C, sblk), lambda b, i: (b, 0, i)),
            pl.BlockSpec((C, C), lambda b, i: (0, 0)),
            pl.BlockSpec((C,), lambda b, i: (0,)),
            pl.BlockSpec((_NCA_PAD, C), lambda b, i: (0, 0)),
            pl.BlockSpec((_NCA_PAD,), lambda b, i: (0,)),
        ],
        out_specs=[
            pl.BlockSpec((1, sblk, _NCA_PAD), lambda b, i: (b, i, 0)),
            pl.BlockSpec((1, sblk, C), lambda b, i: (b, i, 0)),
        ],
        out_shape=[
            jax.ShapeDtypeStruct((B, S, _NCA_PAD), jnp.float32),
            jax.ShapeDtypeStruct((B, S, C), jnp.float32),
        ],
    )(x, wpre, bpre, wprojp, bprojp)


def _thresh_body(keys_ref, thr_ref):
    keys = keys_ref[...]

    def step(_, carry):
        lo, hi = carry
        mid = (lo + hi) >> 1
        midf = lax.bitcast_convert_type(mid, jnp.float32)
        cnt = jnp.sum((keys >= midf).astype(jnp.float32), axis=1, keepdims=True)
        ge_k = cnt >= float(_REL_THR)
        return jnp.where(ge_k, mid, lo), jnp.where(ge_k, hi, mid)

    lo0 = jnp.zeros((_B, 1), jnp.int32)
    hi0 = jnp.full((_B, 1), 0x3F800001, jnp.int32)
    lo, _ = lax.fori_loop(0, 31, step, (lo0, hi0))
    thr_ref[...] = jnp.broadcast_to(
        lax.bitcast_convert_type(lo, jnp.float32), (_B, 16))


def _thresh(keys):
    return pl.pallas_call(
        _thresh_body,
        in_specs=[pl.BlockSpec((_B, _N), lambda: (0, 0))],
        out_specs=pl.BlockSpec((_B, 16), lambda: (0, 0)),
        out_shape=jax.ShapeDtypeStruct((_B, 16), jnp.float32),
    )(keys)


def _compact_body(keys_hbm, thr_hbm, ck_hbm, cp_hbm, buf, tv, okeys, opids):
    w = lax.axis_index("s") * 2 + lax.axis_index("c")

    @pl.when(w < 8)
    def _():
        r = w >> 1
        h = w & 1
        pltpu.sync_copy(thr_hbm.at[pl.ds(r * 16, 16)], tv)
        tvec = tv[...]

        zeros16f = jnp.zeros((16,), jnp.float32)
        zeros16i = jnp.zeros((16,), jnp.int32)

        def zinit(i, _):
            okeys[pl.ds(i * 16, 16)] = zeros16f
            opids[pl.ds(i * 16, 16)] = zeros16i
            return 0

        lax.fori_loop(0, _CAND // 16, zinit, 0)

        row_base = r * _N + h * _N2
        pid_base = h * _N2
        iota16 = lax.iota(jnp.int32, 16)

        def chunk_step(c, cnt):
            pltpu.sync_copy(keys_hbm.at[pl.ds(row_base + c * _CHUNK, _CHUNK)], buf)

            def vec_step(i, cnt):
                kv = buf[pl.ds(i * 16, 16)]
                mask = kv >= tvec
                pos = cnt + plsc.cumsum(mask.astype(jnp.int32)) - 1
                mask = jnp.logical_and(mask, pos < _CAND)
                pid = iota16 + jnp.full((16,), pid_base + c * _CHUNK + i * 16,
                                        jnp.int32)
                plsc.store_scatter(okeys, [pos], kv, mask=mask)
                plsc.store_scatter(opids, [pos], pid, mask=mask)
                return cnt + plsc.all_reduce_population_count(mask)

            return lax.fori_loop(0, _CHUNK // 16, vec_step, cnt)

        lax.fori_loop(0, _N2 // _CHUNK, chunk_step, jnp.zeros((16,), jnp.int32))

        out_off = (r * 2 + h) * _CAND
        pltpu.sync_copy(okeys, ck_hbm.at[pl.ds(out_off, _CAND)])
        pltpu.sync_copy(opids, cp_hbm.at[pl.ds(out_off, _CAND)])


def _compact(keys_flat, thr_flat):
    mesh = plsc.VectorSubcoreMesh(core_axis_name="c", subcore_axis_name="s")
    k = pl.kernel(
        _compact_body, mesh=mesh,
        out_type=[
            jax.ShapeDtypeStruct((8 * _CAND,), jnp.float32),
            jax.ShapeDtypeStruct((8 * _CAND,), jnp.int32),
        ],
        scratch_types=[
            pltpu.VMEM((_CHUNK,), jnp.float32),
            pltpu.VMEM((16,), jnp.float32),
            pltpu.VMEM((_CAND,), jnp.float32),
            pltpu.VMEM((_CAND,), jnp.int32),
        ],
        compiler_params=pltpu.CompilerParams(needs_layout_passes=False),
    )
    return k(keys_flat, thr_flat)


def _rank_body(ck_ref, cp_ref, ckt_ref, cpt_ref, sel_ref, fid_ref):
    k = ck_ref[0]
    p = cp_ref[0]
    rows = lax.broadcasted_iota(jnp.int32, (1, _CAND), 1).astype(jnp.float32)

    def slab(s, acc):
        ks = ckt_ref[0, pl.ds(s * 128, 128), :]
        ps = cpt_ref[0, pl.ds(s * 128, 128), :]
        g = jnp.logical_or(k > ks, jnp.logical_and(k == ks, p < ps))
        rank_s = jnp.sum(g.astype(jnp.float32), axis=1, keepdims=True)
        oh = (rank_s == rows).astype(jnp.float32)
        return acc + lax.dot_general(ps.astype(jnp.float32), oh,
                                     (((0,), (0,)), ((), ())),
                                     precision=lax.Precision.HIGHEST,
                                     preferred_element_type=jnp.float32)

    acc = lax.fori_loop(0, 16, slab, jnp.zeros((1, _CAND), jnp.float32))
    pid = acc.astype(jnp.int32)
    cell = jnp.floor((acc + 0.5) * (1.0 / 9.0)).astype(jnp.int32)
    r = pl.program_id(0)
    sel_ref[0] = r * _NUM_ANCHORS + pid
    fid_ref[0] = r * _S + cell


def _rank(ck, cp, ckt, cpt):
    return pl.pallas_call(
        _rank_body,
        grid=(_B,),
        in_specs=[
            pl.BlockSpec((1, 1, 2 * _CAND), lambda b: (b, 0, 0)),
            pl.BlockSpec((1, 1, 2 * _CAND), lambda b: (b, 0, 0)),
            pl.BlockSpec((1, 2 * _CAND, 1), lambda b: (b, 0, 0)),
            pl.BlockSpec((1, 2 * _CAND, 1), lambda b: (b, 0, 0)),
        ],
        out_specs=[
            pl.BlockSpec((1, 1, _CAND), lambda b: (b, 0, 0)),
            pl.BlockSpec((1, 1, _CAND), lambda b: (b, 0, 0)),
        ],
        out_shape=[
            jax.ShapeDtypeStruct((_B, 1, _CAND), jnp.int32),
            jax.ShapeDtypeStruct((_B, 1, _CAND), jnp.int32),
        ],
    )(ck, cp, ckt, cpt)


def _gather_body(table_hbm, idx_hbm, out_hbm, idx_v, rows_v, sem):
    w = lax.axis_index("s") * 2 + lax.axis_index("c")
    base = w * 128
    pltpu.sync_copy(idx_hbm.at[pl.ds(base, 128)], idx_v)
    pltpu.async_copy(table_hbm.at[idx_v], rows_v, sem).wait()
    pltpu.sync_copy(rows_v, out_hbm.at[pl.ds(base, 128)])


def _gather(table, idx):
    mesh = plsc.VectorSubcoreMesh(core_axis_name="c", subcore_axis_name="s")
    k = pl.kernel(
        _gather_body, mesh=mesh,
        out_type=jax.ShapeDtypeStruct((_B * _CAND, _C), jnp.float32),
        scratch_types=[
            pltpu.VMEM((128,), jnp.int32),
            pltpu.VMEM((128, _C), jnp.float32),
            pltpu.SemaphoreType.DMA,
        ],
        compiler_params=pltpu.CompilerParams(needs_layout_passes=False),
    )
    return k(table, idx)


def kernel(feat_map0, feat_map1, feat_map2, feat_map3, W_pre, b_pre, W_proj, b_proj):
    fms = [feat_map0, feat_map1, feat_map2, feat_map3]
    B, C = _B, _C
    wprojp = jnp.concatenate(
        [W_proj, jnp.zeros((_NCA_PAD - _NCA, C), jnp.float32)], axis=0)
    bprojp = jnp.concatenate(
        [b_proj, jnp.full((_NCA_PAD - _NCA,), -jnp.inf, jnp.float32)], axis=0)

    lgs, fts = [], []
    for fm, sblk in zip(fms, (2048, 2048, 1024, 256)):
        b, c, h, w = fm.shape
        lg, ft = _proj_map(fm.reshape(b, c, h * w), W_pre, b_pre, wprojp,
                           bprojp, sblk)
        lgs.append(lg)
        fts.append(ft)

    lg16 = jnp.concatenate(lgs, axis=1)
    sel_logits = lg16[:, :, :_NCA].reshape(B, _N)
    keys = jax.nn.sigmoid(sel_logits)

    thr = _thresh(keys)
    ck, cp = _compact(keys.reshape(-1), thr.reshape(-1))
    sel, fid = _rank(ck.reshape(B, 1, 2 * _CAND), cp.reshape(B, 1, 2 * _CAND),
                     ck.reshape(B, 2 * _CAND, 1), cp.reshape(B, 2 * _CAND, 1))

    feats = jnp.concatenate(fts, axis=1).reshape(-1, C)
    gout = _gather(feats, fid.reshape(-1))

    sel_ids = sel[:, 0, :_REL_THR].reshape(-1)
    sel_feats = gout.reshape(B, _CAND, C)[:, :_REL_THR].reshape(-1, C)
    return sel_logits, sel_ids, sel_feats

# --- scband reference (transcript-rebuilt; emitter-appended) ---
"""Pipeline reference for scband-anchor-selector-70334384439468 (READ-ONLY COPY).

The authoritative reference and input builder live on the scoring server;
editing this copy changes nothing except your own understanding.
"""

import jax, jax.numpy as jnp
import numpy as np
import math

REL_THR = 1000
NUM_CELL_ANCHORS = 9


def setup_inputs(seed: int = 0):
    key = jax.random.key(seed)
    ks = jax.random.split(key, 6)
    B, C = 4, 128
    sizes = [(128, 128), (64, 64), (32, 32), (16, 16)]
    inp = {}
    for i, (h, w) in enumerate(sizes):
        inp['feat_map%d' % i] = jax.random.normal(ks[i], (B, C, h, w), dtype=jnp.float32)
    kw = jax.random.split(ks[5], 2)
    inp['W_pre'] = jax.random.normal(kw[0], (C, C), dtype=jnp.float32) * 0.02
    inp['b_pre'] = jnp.zeros((C,), dtype=jnp.float32)
    inp['W_proj'] = jax.random.normal(kw[1], (NUM_CELL_ANCHORS, C), dtype=jnp.float32) * 0.02
    inp['b_proj'] = jnp.full((NUM_CELL_ANCHORS,), -math.log((1.0 - 0.01) / 0.01), dtype=jnp.float32)
    return inp


def reference(feat_map0, feat_map1, feat_map2, feat_map3, W_pre, b_pre, W_proj, b_proj):
    feat_maps = [feat_map0, feat_map1, feat_map2, feat_map3]
    logit_flats = []
    feat_flats = []
    for fm in feat_maps:
        B, C, H, W = fm.shape
        x = jnp.transpose(fm, (0, 2, 3, 1))  # [B,H,W,C], mirrors permute(0,2,3,1)
        # pre-logits 1x1 conv + relu (ProjConv pre module)
        pre = jax.nn.relu(jnp.einsum('bhwc,dc->bhwd', x, W_pre) + b_pre)
        # proj 1x1 conv -> num_cell_anchors logits per cell
        lg = jnp.einsum('bhwc,ac->bhwa', pre, W_proj) + b_proj
        logit_flats.append(lg.reshape(B, -1))
        feat_flats.append(x.reshape(B, H * W, C))
    sel_logits = jnp.concatenate(logit_flats, axis=1)  # [B, num_anchors]
    sel_probs = jax.nn.sigmoid(jax.lax.stop_gradient(sel_logits))  # sigmoid(logits.detach())
    B, num_anchors = sel_probs.shape
    _, topk_ids = jax.lax.top_k(sel_probs, REL_THR)  # 'rel' selection, per batch row
    sel_ids = (num_anchors * jnp.arange(B)[:, None] + topk_ids).reshape(-1)  # [num_selecs]
    feats = jnp.concatenate(feat_flats, axis=1)  # [B, total_cells, C]
    feats = feats.reshape(-1, feats.shape[-1])  # flatten(0,1) -> [B*total_cells, C]
    feat_ids = sel_ids // NUM_CELL_ANCHORS
    sel_feats = jnp.take(feats, feat_ids, axis=0)
    return sel_logits, sel_ids, sel_feats

if __name__ == "__main__":
    import jax
    _d = setup_inputs()
    print(jax.jit(kernel)(*tuple(_d.values())))

</pallas_src>

<mosaic_0001>
#map = affine_map<(d0, d1) -> (0)>
module attributes {stable_mosaic.version = 14 : i64} {
  func.func @_compact_body(%arg0: i32, %arg1: i32, %arg2: memref<783360xf32, #tpu.memory_space<hbm>>, %arg3: memref<64xf32, #tpu.memory_space<hbm>>, %arg4: memref<8192xf32, #tpu.memory_space<hbm>>, %arg5: memref<8192xi32, #tpu.memory_space<hbm>>, %arg6: memref<19584xf32, #tpu.memory_space<vmem>>, %arg7: memref<16xf32, #tpu.memory_space<vmem>>, %arg8: memref<1024xf32, #tpu.memory_space<vmem>>, %arg9: memref<1024xi32, #tpu.memory_space<vmem>>) attributes {dimension_semantics = [#tpu.dimension_semantics<core_parallel>, #tpu.dimension_semantics<subcore_parallel>], iteration_bounds = array<i64: 2, 16>, scalar_prefetch = 0 : i64, scratch_operands = 4 : i64, tpu.core_type = #tpu.core_type<sc_vector_subcore>, window_params = [{transform_indices = #map}, {transform_indices = #map}, {transform_indices = #map}, {transform_indices = #map}]} {
    %mul3A = arith.constant 2 : i32
    %mul3A_0 = arith.muli %arg1, %mul3A : i32
    %add3A = arith.addi %mul3A_0, %arg0 : i32
    %lt3A = arith.constant 8 : i32
    %lt3A_1 = arith.cmpi slt, %add3A, %lt3A : i32
    %convert_element_type3A = arith.extui %lt3A_1 : i1 to i32
    %cond3A = arith.constant 0 : i32
    %cond3A_2 = arith.cmpi ne, %convert_element_type3A, %cond3A : i32
    scf.if %cond3A_2 {
      %shift_right_arithmetic3A = arith.constant 1 : i32
      %shift_right_arithmetic3A_3 = arith.shrsi %add3A, %shift_right_arithmetic3A : i32
      %and3A = arith.constant 1 : i32
      %and3A_4 = arith.andi %add3A, %and3A : i32
      %mul3A_5 = arith.constant 16 : i32
      %mul3A_6 = arith.muli %shift_right_arithmetic3A_3, %mul3A_5 : i32
      "tpu.region"() ({
        %run_scoped3A = tpu.sem_alloc : memref<!tpu.dma_semaphore, #tpu.memory_space<semaphore_mem>>
        %dma_start3A = tpu.memref_slice %arg3[%mul3A_6] : memref<64xf32, #tpu.memory_space<hbm>> -> memref<16xf32, #tpu.memory_space<hbm>>
        %dma_start3A_37 = tpu.memref_slice %arg3[%mul3A_6] : memref<64xf32, #tpu.memory_space<hbm>> -> memref<16xf32, #tpu.memory_space<hbm>>
        tpu.enqueue_dma source(%dma_start3A_37 : memref<16xf32, #tpu.memory_space<hbm>>) target(%arg7 : memref<16xf32, #tpu.memory_space<vmem>>) target_semaphore(%run_scoped3A : memref<!tpu.dma_semaphore, #tpu.memory_space<semaphore_mem>>)
        %dma_wait3A = tpu.memref_slice %arg3[%mul3A_6] : memref<64xf32, #tpu.memory_space<hbm>> -> memref<16xf32, #tpu.memory_space<hbm>>
        %dma_wait3A_38 = tpu.memref_slice %arg3[%mul3A_6] : memref<64xf32, #tpu.memory_space<hbm>> -> memref<16xf32, #tpu.memory_space<hbm>>
        tpu.wait_dma2 semaphore(%run_scoped3A : memref<!tpu.dma_semaphore, #tpu.memory_space<semaphore_mem>>) src(%dma_wait3A_38 : memref<16xf32, #tpu.memory_space<hbm>>) dst(%arg7 : memref<16xf32, #tpu.memory_space<vmem>>)
        tpu.yield
      }) : () -> ()
      %get3A = arith.constant 0 : index
      %get3A_7 = tpu.vector_load %arg7[%get3A] {strides = array<i32>} : memref<16xf32, #tpu.memory_space<vmem>>, vector<16xf32>,
      %broadcast_in_dim3A = arith.constant 0.000000e+00 : f32
      %broadcast_in_dim3A_8 = vector.broadcast %broadcast_in_dim3A : f32 to vector<16xf32>
      %broadcast_in_dim3A_9 = arith.constant 0 : i32
      %broadcast_in_dim3A_10 = vector.broadcast %broadcast_in_dim3A_9 : i32 to vector<16xi32>
      %scan3A = arith.constant 0 : i32
      %scan3A_11 = arith.constant 0 : i32
      %scan3A_12 = arith.constant 64 : i32
      %scan3A_13 = arith.addi %scan3A_11, %scan3A_12 : i32
      %scan3A_14 = arith.constant 1 : i32
      %scan3A_15 = scf.for %scan3A_37 = %scan3A_11 to %scan3A_13 step %scan3A_14 iter_args(%scan3A_38 = %scan3A) -> (i32)  : i32 {
        %mul3A_39 = arith.constant 16 : i32
        %mul3A_40 = arith.muli %scan3A_37, %mul3A_39 : i32
        %swap3A = arith.index_cast %mul3A_40 : i32 to index
        %swap3A_41 = tpu.vector_load %arg8[%swap3A] {strides = array<i32>} : memref<1024xf32, #tpu.memory_space<vmem>>, vector<16xf32>,
        tpu.vector_store %arg8[%swap3A], %broadcast_in_dim3A_8 {strides = array<i32>} : memref<1024xf32, #tpu.memory_space<vmem>>, vector<16xf32>,
        %mul3A_42 = arith.constant 16 : i32
        %mul3A_43 = arith.muli %scan3A_37, %mul3A_42 : i32
        %swap3A_44 = arith.index_cast %mul3A_43 : i32 to index
        %swap3A_45 = tpu.vector_load %arg9[%swap3A_44] {strides = array<i32>} : memref<1024xi32, #tpu.memory_space<vmem>>, vector<16xi32>,
        tpu.vector_store %arg9[%swap3A_44], %broadcast_in_dim3A_10 {strides = array<i32>} : memref<1024xi32, #tpu.memory_space<vmem>>, vector<16xi32>,
        %scan3A_46 = arith.constant 0 : i32
        scf.yield %scan3A_46 : i32
      }
      %scan3A_16 = arith.constant 64 : i32
      %mul3A_17 = arith.constant 195840 : i32
      %mul3A_18 = arith.muli %shift_right_arithmetic3A_3, %mul3A_17 : i32
      %mul3A_19 = arith.constant 97920 : i32
      %mul3A_20 = arith.muli %and3A_4, %mul3A_19 : i32
      %add3A_21 = arith.addi %mul3A_18, %mul3A_20 : i32
      %mul3A_22 = arith.constant 97920 : i32
      %mul3A_23 = arith.muli %and3A_4, %mul3A_22 : i32
      %iota3A = tpu.iota {dimensions = array<i32: 0>} : vector<16xi32>
      %broadcast_in_dim3A_24 = arith.constant 0 : i32
      %broadcast_in_dim3A_25 = vector.broadcast %broadcast_in_dim3A_24 : i32 to vector<16xi32>
      %scan3A_26 = arith.constant 0 : i32
      %scan3A_27 = arith.constant 5 : i32
      %scan3A_28 = arith.addi %scan3A_26, %scan3A_27 : i32
      %scan3A_29 = arith.constant 1 : i32
      %scan3A_30 = scf.for %scan3A_37 = %scan3A_26 to %scan3A_28 step %scan3A_29 iter_args(%scan3A_38 = %broadcast_in_dim3A_25) -> (vector<16xi32>)  : i32 {
        %mul3A_39 = arith.constant 19584 : i32
        %mul3A_40 = arith.muli %scan3A_37, %mul3A_39 : i32
        %add3A_41 = arith.addi %add3A_21, %mul3A_40 : i32
        "tpu.region"() ({
          %run_scoped3A = tpu.sem_alloc : memref<!tpu.dma_semaphore, #tpu.memory_space<semaphore_mem>>
          %dma_start3A = tpu.memref_slice %arg2[%add3A_41] : memref<783360xf32, #tpu.memory_space<hbm>> -> memref<19584xf32, #tpu.memory_space<hbm>>
          %dma_start3A_48 = tpu.memref_slice %arg2[%add3A_41] : memref<783360xf32, #tpu.memory_space<hbm>> -> memref<19584xf32, #tpu.memory_space<hbm>>
          tpu.enqueue_dma source(%dma_start3A_48 : memref<19584xf32, #tpu.memory_space<hbm>>) target(%arg6 : memref<19584xf32, #tpu.memory_space<vmem>>) target_semaphore(%run_scoped3A : memref<!tpu.dma_semaphore, #tpu.memory_space<semaphore_mem>>)
          %dma_wait3A = tpu.memref_slice %arg2[%add3A_41] : memref<783360xf32, #tpu.memory_space<hbm>> -> memref<19584xf32, #tpu.memory_space<hbm>>
          %dma_wait3A_49 = tpu.memref_slice %arg2[%add3A_41] : memref<783360xf32, #tpu.memory_space<hbm>> -> memref<19584xf32, #tpu.memory_space<hbm>>
          tpu.wait_dma2 semaphore(%run_scoped3A : memref<!tpu.dma_semaphore, #tpu.memory_space<semaphore_mem>>) src(%dma_wait3A_49 : memref<19584xf32, #tpu.memory_space<hbm>>) dst(%arg6 : memref<19584xf32, #tpu.memory_space<vmem>>)
          tpu.yield
        }) : () -> ()
        %scan3A_42 = arith.constant 0 : i32
        %scan3A_43 = arith.constant 1224 : i32
        %scan3A_44 = arith.addi %scan3A_42, %scan3A_43 : i32
        %scan3A_45 = arith.constant 1 : i32
        %scan3A_46 = scf.for %scan3A_48 = %scan3A_42 to %scan3A_44 step %scan3A_45 iter_args(%scan3A_49 = %scan3A_38) -> (vector<16xi32>)  : i32 {
          %mul3A_50 = arith.constant 16 : i32
          %mul3A_51 = arith.muli %scan3A_48, %mul3A_50 : i32
          %get3A_52 = arith.index_cast %mul3A_51 : i32 to index
          %get3A_53 = tpu.vector_load %arg6[%get3A_52] {strides = array<i32>} : memref<19584xf32, #tpu.memory_space<vmem>>, vector<16xf32>,
          %ge3A = arith.cmpf oge, %get3A_53, %get3A_7 : vector<16xf32>
          %convert_element_type3A_54 = arith.extui %ge3A : vector<16xi1> to vector<16xi32>
          %broadcast_in_dim3A_55 = arith.constant true
          %broadcast_in_dim3A_56 = vector.broadcast %broadcast_in_dim3A_55 : i1 to vector<16xi1>
          %masked_cumsum3A = tpu.scan <sum>, %convert_element_type3A_54 masked %broadcast_in_dim3A_56 : vector<16xi32>, vector<16xi1> -> vector<16xi32>
          %add3A_57 = arith.addi %scan3A_49, %masked_cumsum3A : vector<16xi32>
          %sub3A = arith.constant 1 : i32
          %sub3A_58 = vector.broadcast %sub3A : i32 to vector<16xi32>
          %sub3A_59 = arith.subi %add3A_57, %sub3A_58 : vector<16xi32>
          %lt3A_60 = arith.constant 1024 : i32
          %lt3A_61 = vector.broadcast %lt3A_60 : i32 to vector<16xi32>
          %lt3A_62 = arith.cmpi slt, %sub3A_59, %lt3A_61 : vector<16xi32>
          %and3A_63 = arith.andi %ge3A, %lt3A_62 : vector<16xi1>
          %mul3A_64 = arith.constant 19584 : i32
          %mul3A_65 = arith.muli %scan3A_37, %mul3A_64 : i32
          %add3A_66 = arith.addi %mul3A_23, %mul3A_65 : i32
          %mul3A_67 = arith.constant 16 : i32
          %mul3A_68 = arith.muli %scan3A_48, %mul3A_67 : i32
          %add3A_69 = arith.addi %add3A_66, %mul3A_68 : i32
          %broadcast_in_dim3A_70 = vector.broadcast %add3A_69 : i32 to vector<16xi32>
          %add3A_71 = arith.addi %iota3A, %broadcast_in_dim3A_70 : vector<16xi32>
          tpu.vector_store_idx %arg8[%sub3A_59], %get3A_53 masked %and3A_63 : memref<1024xf32, #tpu.memory_space<vmem>>[vector<16xi32>], vector<16xf32>, vector<16xi1>
          tpu.vector_store_idx %arg9[%sub3A_59], %add3A_71 masked %and3A_63 : memref<1024xi32, #tpu.memory_space<vmem>>[vector<16xi32>], vector<16xi32>, vector<16xi1>
          %all_reduce_population_count3A = tpu.all_reduce %and3A_63 {dim = 0 : i64, kind = #tpu.reduction_kind<sum>} : vector<16xi1> -> vector<16xi32>
          %add3A_72 = arith.addi %scan3A_49, %all_reduce_population_count3A : vector<16xi32>
          scf.yield %add3A_72 : vector<16xi32>
        }
        %scan3A_47 = arith.constant 1224 : i32
        scf.yield %scan3A_46 : vector<16xi32>
      }
      %scan3A_31 = arith.constant 5 : i32
      %mul3A_32 = arith.constant 2 : i32
      %mul3A_33 = arith.muli %shift_right_arithmetic3A_3, %mul3A_32 : i32
      %add3A_34 = arith.addi %mul3A_33, %and3A_4 : i32
      %mul3A_35 = arith.constant 1024 : i32
      %mul3A_36 = arith.muli %add3A_34, %mul3A_35 : i32
      "tpu.region"() ({
        %run_scoped3A = tpu.sem_alloc : memref<!tpu.dma_semaphore, #tpu.memory_space<semaphore_mem>>
        %dma_start3A = tpu.memref_slice %arg4[%mul3A_36] : memref<8192xf32, #tpu.memory_space<hbm>> -> memref<1024xf32, #tpu.memory_space<hbm>>
        %dma_start3A_37 = tpu.memref_slice %arg4[%mul3A_36] : memref<8192xf32, #tpu.memory_space<hbm>> -> memref<1024xf32, #tpu.memory_space<hbm>>
        tpu.enqueue_dma source(%arg8 : memref<1024xf32, #tpu.memory_space<vmem>>) target(%dma_start3A_37 : memref<1024xf32, #tpu.memory_space<hbm>>) target_semaphore(%run_scoped3A : memref<!tpu.dma_semaphore, #tpu.memory_space<semaphore_mem>>)
        %dma_wait3A = tpu.memref_slice %arg4[%mul3A_36] : memref<8192xf32, #tpu.memory_space<hbm>> -> memref<1024xf32, #tpu.memory_space<hbm>>
        %dma_wait3A_38 = tpu.memref_slice %arg4[%mul3A_36] : memref<8192xf32, #tpu.memory_space<hbm>> -> memref<1024xf32, #tpu.memory_space<hbm>>
        tpu.wait_dma2 semaphore(%run_scoped3A : memref<!tpu.dma_semaphore, #tpu.memory_space<semaphore_mem>>) src(%arg8 : memref<1024xf32, #tpu.memory_space<vmem>>) dst(%dma_wait3A_38 : memref<1024xf32, #tpu.memory_space<hbm>>)
        tpu.yield
      }) : () -> ()
      "tpu.region"() ({
        %run_scoped3A = tpu.sem_alloc : memref<!tpu.dma_semaphore, #tpu.memory_space<semaphore_mem>>
        %dma_start3A = tpu.memref_slice %arg5[%mul3A_36] : memref<8192xi32, #tpu.memory_space<hbm>> -> memref<1024xi32, #tpu.memory_space<hbm>>
        %dma_start3A_37 = tpu.memref_slice %arg5[%mul3A_36] : memref<8192xi32, #tpu.memory_space<hbm>> -> memref<1024xi32, #tpu.memory_space<hbm>>
        tpu.enqueue_dma source(%arg9 : memref<1024xi32, #tpu.memory_space<vmem>>) target(%dma_start3A_37 : memref<1024xi32, #tpu.memory_space<hbm>>) target_semaphore(%run_scoped3A : memref<!tpu.dma_semaphore, #tpu.memory_space<semaphore_mem>>)
        %dma_wait3A = tpu.memref_slice %arg5[%mul3A_36] : memref<8192xi32, #tpu.memory_space<hbm>> -> memref<1024xi32, #tpu.memory_space<hbm>>
        %dma_wait3A_38 = tpu.memref_slice %arg5[%mul3A_36] : memref<8192xi32, #tpu.memory_space<hbm>> -> memref<1024xi32, #tpu.memory_space<hbm>>
        tpu.wait_dma2 semaphore(%run_scoped3A : memref<!tpu.dma_semaphore, #tpu.memory_space<semaphore_mem>>) src(%arg9 : memref<1024xi32, #tpu.memory_space<vmem>>) dst(%dma_wait3A_38 : memref<1024xi32, #tpu.memory_space<hbm>>)
        tpu.yield
      }) : () -> ()
    } else {
    }
    return
  }
}

#map = affine_map<(d0, d1) -> (0, 0)>
#map1 = affine_map<(d0, d1) -> (0)>
module attributes {stable_mosaic.version = 14 : i64} {
  func.func @_gather_body(%arg0: i32, %arg1: i32, %arg2: memref<87040x128xf32, #tpu.memory_space<hbm>>, %arg3: memref<4096xi32, #tpu.memory_space<hbm>>, %arg4: memref<4096x128xf32, #tpu.memory_space<hbm>>, %arg5: memref<128xi32, #tpu.memory_space<vmem>>, %arg6: memref<128x128xf32, #tpu.memory_space<vmem>>, %arg7: memref<!tpu.dma_semaphore, #tpu.memory_space<semaphore_mem>>) attributes {dimension_semantics = [#tpu.dimension_semantics<core_parallel>, #tpu.dimension_semantics<subcore_parallel>], iteration_bounds = array<i64: 2, 16>, scalar_prefetch = 0 : i64, scratch_operands = 3 : i64, tpu.core_type = #tpu.core_type<sc_vector_subcore>, window_params = [{transform_indices = #map}, {transform_indices = #map1}, {transform_indices = #map}]} {
    %mul3A = arith.constant 2 : i32
    %mul3A_0 = arith.muli %arg1, %mul3A : i32
    %add3A = arith.addi %mul3A_0, %arg0 : i32
    %mul3A_1 = arith.constant 128 : i32
    %mul3A_2 = arith.muli %add3A, %mul3A_1 : i32
    "tpu.region"() ({
      %run_scoped3A = tpu.sem_alloc : memref<!tpu.dma_semaphore, #tpu.memory_space<semaphore_mem>>
      %dma_start3A_7 = tpu.memref_slice %arg3[%mul3A_2] : memref<4096xi32, #tpu.memory_space<hbm>> -> memref<128xi32, #tpu.memory_space<hbm>>
      %dma_start3A_8 = tpu.memref_slice %arg3[%mul3A_2] : memref<4096xi32, #tpu.memory_space<hbm>> -> memref<128xi32, #tpu.memory_space<hbm>>
      tpu.enqueue_dma source(%dma_start3A_8 : memref<128xi32, #tpu.memory_space<hbm>>) target(%arg5 : memref<128xi32, #tpu.memory_space<vmem>>) target_semaphore(%run_scoped3A : memref<!tpu.dma_semaphore, #tpu.memory_space<semaphore_mem>>)
      %dma_wait3A_9 = tpu.memref_slice %arg3[%mul3A_2] : memref<4096xi32, #tpu.memory_space<hbm>> -> memref<128xi32, #tpu.memory_space<hbm>>
      %dma_wait3A_10 = tpu.memref_slice %arg3[%mul3A_2] : memref<4096xi32, #tpu.memory_space<hbm>> -> memref<128xi32, #tpu.memory_space<hbm>>
      tpu.wait_dma2 semaphore(%run_scoped3A : memref<!tpu.dma_semaphore, #tpu.memory_space<semaphore_mem>>) src(%dma_wait3A_10 : memref<128xi32, #tpu.memory_space<hbm>>) dst(%arg5 : memref<128xi32, #tpu.memory_space<vmem>>)
      tpu.yield
    }) : () -> ()
    %dma_start3A = arith.constant 0 : i32
    %dma_start3A_3 = arith.constant 0 : i32
    %dma_start3A_4 = tpu.memref_slice %arg2[%dma_start3A, %dma_start3A_3] : memref<87040x128xf32, #tpu.memory_space<hbm>> -> memref<87040x128xf32, #tpu.memory_space<hbm>>
    tpu.enqueue_indirect_dma source(%dma_start3A_4 : memref<87040x128xf32, #tpu.memory_space<hbm>>) target(%arg6 : memref<128x128xf32, #tpu.memory_space<vmem>>) offsets(%arg5 : memref<128xi32, #tpu.memory_space<vmem>>) semaphore(%arg7 : memref<!tpu.dma_semaphore, #tpu.memory_space<semaphore_mem>>)
    %dma_wait3A = arith.constant 0 : i32
    %dma_wait3A_5 = arith.constant 0 : i32
    %dma_wait3A_6 = tpu.memref_slice %arg2[%dma_wait3A, %dma_wait3A_5] : memref<87040x128xf32, #tpu.memory_space<hbm>> -> memref<87040x128xf32, #tpu.memory_space<hbm>>
    tpu.wait_indirect_dma semaphore(%arg7 : memref<!tpu.dma_semaphore, #tpu.memory_space<semaphore_mem>>) src(%dma_wait3A_6 : memref<87040x128xf32, #tpu.memory_space<hbm>>) dst(%arg6 : memref<128x128xf32, #tpu.memory_space<vmem>>)
    "tpu.region"() ({
      %run_scoped3A = tpu.sem_alloc : memref<!tpu.dma_semaphore, #tpu.memory_space<semaphore_mem>>
      %dma_start3A_7 = arith.constant 0 : i32
      %dma_start3A_8 = tpu.memref_slice %arg4[%mul3A_2, %dma_start3A_7] : memref<4096x128xf32, #tpu.memory_space<hbm>> -> memref<128x128xf32, #tpu.memory_space<hbm>>
      %dma_start3A_9 = arith.constant 0 : i32
      %dma_start3A_10 = tpu.memref_slice %arg4[%mul3A_2, %dma_start3A_9] : memref<4096x128xf32, #tpu.memory_space<hbm>> -> memref<128x128xf32, #tpu.memory_space<hbm>>
      tpu.enqueue_dma source(%arg6 : memref<128x128xf32, #tpu.memory_space<vmem>>) target(%dma_start3A_10 : memref<128x128xf32, #tpu.memory_space<hbm>>) target_semaphore(%run_scoped3A : memref<!tpu.dma_semaphore, #tpu.memory_space<semaphore_mem>>)
      %dma_wait3A_11 = arith.constant 0 : i32
      %dma_wait3A_12 = tpu.memref_slice %arg4[%mul3A_2, %dma_wait3A_11] : memref<4096x128xf32, #tpu.memory_space<hbm>> -> memref<128x128xf32, #tpu.memory_space<hbm>>
      %dma_wait3A_13 = arith.constant 0 : i32
      %dma_wait3A_14 = tpu.memref_slice %arg4[%mul3A_2, %dma_wait3A_13] : memref<4096x128xf32, #tpu.memory_space<hbm>> -> memref<128x128xf32, #tpu.memory_space<hbm>>
      tpu.wait_dma2 semaphore(%run_scoped3A : memref<!tpu.dma_semaphore, #tpu.memory_space<semaphore_mem>>) src(%arg6 : memref<128x128xf32, #tpu.memory_space<vmem>>) dst(%dma_wait3A_14 : memref<128x128xf32, #tpu.memory_space<hbm>>)
      tpu.yield
    }) : () -> ()
    return
  }
}

module attributes {stable_mosaic.version = 14 : i64} {
  func.func @_proj_body(%arg0: i32, %arg1: i32, %arg2: memref<1x128x2048xf32, #tpu.memory_space<vmem>>, %arg3: memref<128x128xf32, #tpu.memory_space<vmem>>, %arg4: memref<128xf32, #tpu.memory_space<vmem>>, %arg5: memref<16x128xf32, #tpu.memory_space<vmem>>, %arg6: memref<16xf32, #tpu.memory_space<vmem>>, %arg7: memref<1x2048x16xf32, #tpu.memory_space<vmem>>, %arg8: memref<1x2048x128xf32, #tpu.memory_space<vmem>>) attributes {dimension_semantics = [#tpu.dimension_semantics<arbitrary>, #tpu.dimension_semantics<arbitrary>], iteration_bounds = array<i64: 4, 8>, scalar_prefetch = 0 : i64, scratch_operands = 0 : i64, tpu.core_type = #tpu.core_type<tc>, window_params = [{transform_indices = @transform_0, window_bounds = array<i64: 1, 128, 2048>}, {pipeline_mode = #tpu.pipeline_mode<synchronous>, transform_indices = @transform_1, window_bounds = array<i64: 128, 128>}, {pipeline_mode = #tpu.pipeline_mode<synchronous>, transform_indices = @transform_2, window_bounds = array<i64: 128>}, {pipeline_mode = #tpu.pipeline_mode<synchronous>, transform_indices = @transform_3, window_bounds = array<i64: 16, 128>}, {pipeline_mode = #tpu.pipeline_mode<synchronous>, transform_indices = @transform_4, window_bounds = array<i64: 16>}, {transform_indices = @transform_5, window_bounds = array<i64: 1, 2048, 16>}, {transform_indices = @transform_6, window_bounds = array<i64: 1, 2048, 128>}]} {
    %get3A = arith.constant 0 : index
    %get3A_0 = arith.constant 0 : index
    %get3A_1 = arith.constant 0 : index
    %get3A_2 = vector.load %arg2[%get3A, %get3A_0, %get3A_1] : memref<1x128x2048xf32, #tpu.memory_space<vmem>>, vector<1x128x2048xf32>
    %get3A_3 = vector.shape_cast %get3A_2 : vector<1x128x2048xf32> to vector<128x2048xf32>
    %get3A_4 = arith.constant 0 : index
    %get3A_5 = arith.constant 0 : index
    %get3A_6 = vector.load %arg3[%get3A_4, %get3A_5] : memref<128x128xf32, #tpu.memory_space<vmem>>, vector<128x128xf32>
    %dot_general3A = arith.constant dense<0.000000e+00> : vector<2048x128xf32>
    %dot_general3A_7 = tpu.matmul %get3A_3, %get3A_6, %dot_general3A {dimension_numbers = #tpu.dot_dimension_numbers<[0], [1], [1], [0], [0, 1, 1, 0], [], []>, transpose_lhs_hint = false} : vector<128x2048xf32>, vector<128x128xf32>, vector<2048x128xf32> -> vector<2048x128xf32>
    %get3A_8 = arith.constant 0 : index
    %get3A_9 = vector.load %arg4[%get3A_8] : memref<128xf32, #tpu.memory_space<vmem>>, vector<128xf32>
    %broadcast_in_dim3A = vector.shape_cast %get3A_9 : vector<128xf32> to vector<1x128xf32>
    %add3A = vector.broadcast %broadcast_in_dim3A : vector<1x128xf32> to vector<2048x128xf32>
    %add3A_10 = arith.addf %dot_general3A_7, %add3A : vector<2048x128xf32>
    %max3A = arith.constant 0.000000e+00 : f32
    %max3A_11 = vector.broadcast %max3A : f32 to vector<2048x128xf32>
    %max3A_12 = arith.maximumf %add3A_10, %max3A_11 : vector<2048x128xf32>
    %get3A_13 = arith.constant 0 : index
    %get3A_14 = arith.constant 0 : index
    %get3A_15 = vector.load %arg5[%get3A_13, %get3A_14] : memref<16x128xf32, #tpu.memory_space<vmem>>, vector<16x128xf32>
    %dot_general3A_16 = arith.constant dense<0.000000e+00> : vector<2048x16xf32>
    %dot_general3A_17 = tpu.matmul %max3A_12, %get3A_15, %dot_general3A_16 {dimension_numbers = #tpu.dot_dimension_numbers<[1], [1], [0], [0], [0, 0, 1, 0], [], []>, transpose_lhs_hint = false} : vector<2048x128xf32>, vector<16x128xf32>, vector<2048x16xf32> -> vector<2048x16xf32>
    %get3A_18 = arith.constant 0 : index
    %get3A_19 = vector.load %arg6[%get3A_18] : memref<16xf32, #tpu.memory_space<vmem>>, vector<16xf32>
    %broadcast_in_dim3A_20 = vector.shape_cast %get3A_19 : vector<16xf32> to vector<1x16xf32>
    %add3A_21 = vector.broadcast %broadcast_in_dim3A_20 : vector<1x16xf32> to vector<2048x16xf32>
    %add3A_22 = arith.addf %dot_general3A_17, %add3A_21 : vector<2048x16xf32>
    %swap3A = arith.constant 0 : index
    %swap3A_23 = arith.constant 0 : index
    %swap3A_24 = arith.constant 0 : index
    %swap3A_25 = vector.load %arg7[%swap3A, %swap3A_23, %swap3A_24] : memref<1x2048x16xf32, #tpu.memory_space<vmem>>, vector<1x2048x16xf32>
    %swap3A_26 = vector.shape_cast %swap3A_25 : vector<1x2048x16xf32> to vector<2048x16xf32>
    %swap3A_27 = vector.shape_cast %add3A_22 : vector<2048x16xf32> to vector<1x2048x16xf32>
    tpu.vector_store %arg7[%swap3A, %swap3A_23, %swap3A_24], %swap3A_27 {strides = array<i32>} : memref<1x2048x16xf32, #tpu.memory_space<vmem>>, vector<1x2048x16xf32>,
    %transpose3A = tpu.transpose %get3A_3, [1, 0] : vector<128x2048xf32> -> vector<2048x128xf32>
    %swap3A_28 = arith.constant 0 : index
    %swap3A_29 = arith.constant 0 : index
    %swap3A_30 = arith.constant 0 : index
    %swap3A_31 = vector.load %arg8[%swap3A_28, %swap3A_29, %swap3A_30] : memref<1x2048x128xf32, #tpu.memory_space<vmem>>, vector<1x2048x128xf32>
    %swap3A_32 = vector.shape_cast %swap3A_31 : vector<1x2048x128xf32> to vector<2048x128xf32>
    %swap3A_33 = vector.shape_cast %transpose3A : vector<2048x128xf32> to vector<1x2048x128xf32>
    tpu.vector_store %arg8[%swap3A_28, %swap3A_29, %swap3A_30], %swap3A_33 {strides = array<i32>} : memref<1x2048x128xf32, #tpu.memory_space<vmem>>, vector<1x2048x128xf32>,
    return
  }
  func.func @transform_0(%arg0: i32, %arg1: i32) -> (i32, i32, i32) {
    %c0_i32 = arith.constant 0 : i32
    %c0_i32_0 = arith.constant 0 : i32
    return %arg0, %c0_i32, %arg1 : i32, i32, i32
  }
  func.func @transform_1(%arg0: i32, %arg1: i32) -> (i32, i32) {
    %c0_i32 = arith.constant 0 : i32
    %c0_i32_0 = arith.constant 0 : i32
    %c0_i32_1 = arith.constant 0 : i32
    return %c0_i32, %c0_i32_0 : i32, i32
  }
  func.func @transform_2(%arg0: i32, %arg1: i32) -> i32 {
    %c0_i32 = arith.constant 0 : i32
    %c0_i32_0 = arith.constant 0 : i32
    return %c0_i32 : i32
  }
  func.func @transform_3(%arg0: i32, %arg1: i32) -> (i32, i32) {
    %c0_i32 = arith.constant 0 : i32
    %c0_i32_0 = arith.constant 0 : i32
    %c0_i32_1 = arith.constant 0 : i32
    return %c0_i32, %c0_i32_0 : i32, i32
  }
  func.func @transform_4(%arg0: i32, %arg1: i32) -> i32 {
    %c0_i32 = arith.constant 0 : i32
    %c0_i32_0 = arith.constant 0 : i32
    return %c0_i32 : i32
  }
  func.func @transform_5(%arg0: i32, %arg1: i32) -> (i32, i32, i32) {
    %c0_i32 = arith.constant 0 : i32
    %c0_i32_0 = arith.constant 0 : i32
    return %arg0, %arg1, %c0_i32 : i32, i32, i32
  }
  func.func @transform_6(%arg0: i32, %arg1: i32) -> (i32, i32, i32) {
    %c0_i32 = arith.constant 0 : i32
    %c0_i32_0 = arith.constant 0 : i32
    return %arg0, %arg1, %c0_i32 : i32, i32, i32
  }
}

module attributes {stable_mosaic.version = 14 : i64} {
  func.func @_proj_body(%arg0: i32, %arg1: i32, %arg2: memref<1x128x2048xf32, #tpu.memory_space<vmem>>, %arg3: memref<128x128xf32, #tpu.memory_space<vmem>>, %arg4: memref<128xf32, #tpu.memory_space<vmem>>, %arg5: memref<16x128xf32, #tpu.memory_space<vmem>>, %arg6: memref<16xf32, #tpu.memory_space<vmem>>, %arg7: memref<1x2048x16xf32, #tpu.memory_space<vmem>>, %arg8: memref<1x2048x128xf32, #tpu.memory_space<vmem>>) attributes {dimension_semantics = [#tpu.dimension_semantics<arbitrary>, #tpu.dimension_semantics<arbitrary>], iteration_bounds = array<i64: 4, 2>, scalar_prefetch = 0 : i64, scratch_operands = 0 : i64, tpu.core_type = #tpu.core_type<tc>, window_params = [{transform_indices = @transform_0, window_bounds = array<i64: 1, 128, 2048>}, {pipeline_mode = #tpu.pipeline_mode<synchronous>, transform_indices = @transform_1, window_bounds = array<i64: 128, 128>}, {pipeline_mode = #tpu.pipeline_mode<synchronous>, transform_indices = @transform_2, window_bounds = array<i64: 128>}, {pipeline_mode = #tpu.pipeline_mode<synchronous>, transform_indices = @transform_3, window_bounds = array<i64: 16, 128>}, {pipeline_mode = #tpu.pipeline_mode<synchronous>, transform_indices = @transform_4, window_bounds = array<i64: 16>}, {transform_indices = @transform_5, window_bounds = array<i64: 1, 2048, 16>}, {transform_indices = @transform_6, window_bounds = array<i64: 1, 2048, 128>}]} {
    %get3A = arith.constant 0 : index
    %get3A_0 = arith.constant 0 : index
    %get3A_1 = arith.constant 0 : index
    %get3A_2 = vector.load %arg2[%get3A, %get3A_0, %get3A_1] : memref<1x128x2048xf32, #tpu.memory_space<vmem>>, vector<1x128x2048xf32>
    %get3A_3 = vector.shape_cast %get3A_2 : vector<1x128x2048xf32> to vector<128x2048xf32>
    %get3A_4 = arith.constant 0 : index
    %get3A_5 = arith.constant 0 : index
    %get3A_6 = vector.load %arg3[%get3A_4, %get3A_5] : memref<128x128xf32, #tpu.memory_space<vmem>>, vector<128x128xf32>
    %dot_general3A = arith.constant dense<0.000000e+00> : vector<2048x128xf32>
    %dot_general3A_7 = tpu.matmul %get3A_3, %get3A_6, %dot_general3A {dimension_numbers = #tpu.dot_dimension_numbers<[0], [1], [1], [0], [0, 1, 1, 0], [], []>, transpose_lhs_hint = false} : vector<128x2048xf32>, vector<128x128xf32>, vector<2048x128xf32> -> vector<2048x128xf32>
    %get3A_8 = arith.constant 0 : index
    %get3A_9 = vector.load %arg4[%get3A_8] : memref<128xf32, #tpu.memory_space<vmem>>, vector<128xf32>
    %broadcast_in_dim3A = vector.shape_cast %get3A_9 : vector<128xf32> to vector<1x128xf32>
    %add3A = vector.broadcast %broadcast_in_dim3A : vector<1x128xf32> to vector<2048x128xf32>
    %add3A_10 = arith.addf %dot_general3A_7, %add3A : vector<2048x128xf32>
    %max3A = arith.constant 0.000000e+00 : f32
    %max3A_11 = vector.broadcast %max3A : f32 to vector<2048x128xf32>
    %max3A_12 = arith.maximumf %add3A_10, %max3A_11 : vector<2048x128xf32>
    %get3A_13 = arith.constant 0 : index
    %get3A_14 = arith.constant 0 : index
    %get3A_15 = vector.load %arg5[%get3A_13, %get3A_14] : memref<16x128xf32, #tpu.memory_space<vmem>>, vector<16x128xf32>
    %dot_general3A_16 = arith.constant dense<0.000000e+00> : vector<2048x16xf32>
    %dot_general3A_17 = tpu.matmul %max3A_12, %get3A_15, %dot_general3A_16 {dimension_numbers = #tpu.dot_dimension_numbers<[1], [1], [0], [0], [0, 0, 1, 0], [], []>, transpose_lhs_hint = false} : vector<2048x128xf32>, vector<16x128xf32>, vector<2048x16xf32> -> vector<2048x16xf32>
    %get3A_18 = arith.constant 0 : index
    %get3A_19 = vector.load %arg6[%get3A_18] : memref<16xf32, #tpu.memory_space<vmem>>, vector<16xf32>
    %broadcast_in_dim3A_20 = vector.shape_cast %get3A_19 : vector<16xf32> to vector<1x16xf32>
    %add3A_21 = vector.broadcast %broadcast_in_dim3A_20 : vector<1x16xf32> to vector<2048x16xf32>
    %add3A_22 = arith.addf %dot_general3A_17, %add3A_21 : vector<2048x16xf32>
    %swap3A = arith.constant 0 : index
    %swap3A_23 = arith.constant 0 : index
    %swap3A_24 = arith.constant 0 : index
    %swap3A_25 = vector.load %arg7[%swap3A, %swap3A_23, %swap3A_24] : memref<1x2048x16xf32, #tpu.memory_space<vmem>>, vector<1x2048x16xf32>
    %swap3A_26 = vector.shape_cast %swap3A_25 : vector<1x2048x16xf32> to vector<2048x16xf32>
    %swap3A_27 = vector.shape_cast %add3A_22 : vector<2048x16xf32> to vector<1x2048x16xf32>
    tpu.vector_store %arg7[%swap3A, %swap3A_23, %swap3A_24], %swap3A_27 {strides = array<i32>} : memref<1x2048x16xf32, #tpu.memory_space<vmem>>, vector<1x2048x16xf32>,
    %transpose3A = tpu.transpose %get3A_3, [1, 0] : vector<128x2048xf32> -> vector<2048x128xf32>
    %swap3A_28 = arith.constant 0 : index
    %swap3A_29 = arith.constant 0 : index
    %swap3A_30 = arith.constant 0 : index
    %swap3A_31 = vector.load %arg8[%swap3A_28, %swap3A_29, %swap3A_30] : memref<1x2048x128xf32, #tpu.memory_space<vmem>>, vector<1x2048x128xf32>
    %swap3A_32 = vector.shape_cast %swap3A_31 : vector<1x2048x128xf32> to vector<2048x128xf32>
    %swap3A_33 = vector.shape_cast %transpose3A : vector<2048x128xf32> to vector<1x2048x128xf32>
    tpu.vector_store %arg8[%swap3A_28, %swap3A_29, %swap3A_30], %swap3A_33 {strides = array<i32>} : memref<1x2048x128xf32, #tpu.memory_space<vmem>>, vector<1x2048x128xf32>,
    return
  }
  func.func @transform_0(%arg0: i32, %arg1: i32) -> (i32, i32, i32) {
    %c0_i32 = arith.constant 0 : i32
    %c0_i32_0 = arith.constant 0 : i32
    return %arg0, %c0_i32, %arg1 : i32, i32, i32
  }
  func.func @transform_1(%arg0: i32, %arg1: i32) -> (i32, i32) {
    %c0_i32 = arith.constant 0 : i32
    %c0_i32_0 = arith.constant 0 : i32
    %c0_i32_1 = arith.constant 0 : i32
    return %c0_i32, %c0_i32_0 : i32, i32
  }
  func.func @transform_2(%arg0: i32, %arg1: i32) -> i32 {
    %c0_i32 = arith.constant 0 : i32
    %c0_i32_0 = arith.constant 0 : i32
    return %c0_i32 : i32
  }
  func.func @transform_3(%arg0: i32, %arg1: i32) -> (i32, i32) {
    %c0_i32 = arith.constant 0 : i32
    %c0_i32_0 = arith.constant 0 : i32
    %c0_i32_1 = arith.constant 0 : i32
    return %c0_i32, %c0_i32_0 : i32, i32
  }
  func.func @transform_4(%arg0: i32, %arg1: i32) -> i32 {
    %c0_i32 = arith.constant 0 : i32
    %c0_i32_0 = arith.constant 0 : i32
    return %c0_i32 : i32
  }
  func.func @transform_5(%arg0: i32, %arg1: i32) -> (i32, i32, i32) {
    %c0_i32 = arith.constant 0 : i32
    %c0_i32_0 = arith.constant 0 : i32
    return %arg0, %arg1, %c0_i32 : i32, i32, i32
  }
  func.func @transform_6(%arg0: i32, %arg1: i32) -> (i32, i32, i32) {
    %c0_i32 = arith.constant 0 : i32
    %c0_i32_0 = arith.constant 0 : i32
    return %arg0, %arg1, %c0_i32 : i32, i32, i32
  }
}

module attributes {stable_mosaic.version = 14 : i64} {
  func.func @_proj_body(%arg0: i32, %arg1: i32, %arg2: memref<1x128x1024xf32, #tpu.memory_space<vmem>>, %arg3: memref<128x128xf32, #tpu.memory_space<vmem>>, %arg4: memref<128xf32, #tpu.memory_space<vmem>>, %arg5: memref<16x128xf32, #tpu.memory_space<vmem>>, %arg6: memref<16xf32, #tpu.memory_space<vmem>>, %arg7: memref<1x1024x16xf32, #tpu.memory_space<vmem>>, %arg8: memref<1x1024x128xf32, #tpu.memory_space<vmem>>) attributes {dimension_semantics = [#tpu.dimension_semantics<arbitrary>, #tpu.dimension_semantics<arbitrary>], iteration_bounds = array<i64: 4, 1>, scalar_prefetch = 0 : i64, scratch_operands = 0 : i64, tpu.core_type = #tpu.core_type<tc>, window_params = [{transform_indices = @transform_0, window_bounds = array<i64: 1, 128, 1024>}, {pipeline_mode = #tpu.pipeline_mode<synchronous>, transform_indices = @transform_1, window_bounds = array<i64: 128, 128>}, {pipeline_mode = #tpu.pipeline_mode<synchronous>, transform_indices = @transform_2, window_bounds = array<i64: 128>}, {pipeline_mode = #tpu.pipeline_mode<synchronous>, transform_indices = @transform_3, window_bounds = array<i64: 16, 128>}, {pipeline_mode = #tpu.pipeline_mode<synchronous>, transform_indices = @transform_4, window_bounds = array<i64: 16>}, {transform_indices = @transform_5, window_bounds = array<i64: 1, 1024, 16>}, {transform_indices = @transform_6, window_bounds = array<i64: 1, 1024, 128>}]} {
    %get3A = arith.constant 0 : index
    %get3A_0 = arith.constant 0 : index
    %get3A_1 = arith.constant 0 : index
    %get3A_2 = vector.load %arg2[%get3A, %get3A_0, %get3A_1] : memref<1x128x1024xf32, #tpu.memory_space<vmem>>, vector<1x128x1024xf32>
    %get3A_3 = vector.shape_cast %get3A_2 : vector<1x128x1024xf32> to vector<128x1024xf32>
    %get3A_4 = arith.constant 0 : index
    %get3A_5 = arith.constant 0 : index
    %get3A_6 = vector.load %arg3[%get3A_4, %get3A_5] : memref<128x128xf32, #tpu.memory_space<vmem>>, vector<128x128xf32>
    %dot_general3A = arith.constant dense<0.000000e+00> : vector<1024x128xf32>
    %dot_general3A_7 = tpu.matmul %get3A_3, %get3A_6, %dot_general3A {dimension_numbers = #tpu.dot_dimension_numbers<[0], [1], [1], [0], [0, 1, 1, 0], [], []>, transpose_lhs_hint = false} : vector<128x1024xf32>, vector<128x128xf32>, vector<1024x128xf32> -> vector<1024x128xf32>
    %get3A_8 = arith.constant 0 : index
    %get3A_9 = vector.load %arg4[%get3A_8] : memref<128xf32, #tpu.memory_space<vmem>>, vector<128xf32>
    %broadcast_in_dim3A = vector.shape_cast %get3A_9 : vector<128xf32> to vector<1x128xf32>
    %add3A = vector.broadcast %broadcast_in_dim3A : vector<1x128xf32> to vector<1024x128xf32>
    %add3A_10 = arith.addf %dot_general3A_7, %add3A : vector<1024x128xf32>
    %max3A = arith.constant 0.000000e+00 : f32
    %max3A_11 = vector.broadcast %max3A : f32 to vector<1024x128xf32>
    %max3A_12 = arith.maximumf %add3A_10, %max3A_11 : vector<1024x128xf32>
    %get3A_13 = arith.constant 0 : index
    %get3A_14 = arith.constant 0 : index
    %get3A_15 = vector.load %arg5[%get3A_13, %get3A_14] : memref<16x128xf32, #tpu.memory_space<vmem>>, vector<16x128xf32>
    %dot_general3A_16 = arith.constant dense<0.000000e+00> : vector<1024x16xf32>
    %dot_general3A_17 = tpu.matmul %max3A_12, %get3A_15, %dot_general3A_16 {dimension_numbers = #tpu.dot_dimension_numbers<[1], [1], [0], [0], [0, 0, 1, 0], [], []>, transpose_lhs_hint = false} : vector<1024x128xf32>, vector<16x128xf32>, vector<1024x16xf32> -> vector<1024x16xf32>
    %get3A_18 = arith.constant 0 : index
    %get3A_19 = vector.load %arg6[%get3A_18] : memref<16xf32, #tpu.memory_space<vmem>>, vector<16xf32>
    %broadcast_in_dim3A_20 = vector.shape_cast %get3A_19 : vector<16xf32> to vector<1x16xf32>
    %add3A_21 = vector.broadcast %broadcast_in_dim3A_20 : vector<1x16xf32> to vector<1024x16xf32>
    %add3A_22 = arith.addf %dot_general3A_17, %add3A_21 : vector<1024x16xf32>
    %swap3A = arith.constant 0 : index
    %swap3A_23 = arith.constant 0 : index
    %swap3A_24 = arith.constant 0 : index
    %swap3A_25 = vector.load %arg7[%swap3A, %swap3A_23, %swap3A_24] : memref<1x1024x16xf32, #tpu.memory_space<vmem>>, vector<1x1024x16xf32>
    %swap3A_26 = vector.shape_cast %swap3A_25 : vector<1x1024x16xf32> to vector<1024x16xf32>
    %swap3A_27 = vector.shape_cast %add3A_22 : vector<1024x16xf32> to vector<1x1024x16xf32>
    tpu.vector_store %arg7[%swap3A, %swap3A_23, %swap3A_24], %swap3A_27 {strides = array<i32>} : memref<1x1024x16xf32, #tpu.memory_space<vmem>>, vector<1x1024x16xf32>,
    %transpose3A = tpu.transpose %get3A_3, [1, 0] : vector<128x1024xf32> -> vector<1024x128xf32>
    %swap3A_28 = arith.constant 0 : index
    %swap3A_29 = arith.constant 0 : index
    %swap3A_30 = arith.constant 0 : index
    %swap3A_31 = vector.load %arg8[%swap3A_28, %swap3A_29, %swap3A_30] : memref<1x1024x128xf32, #tpu.memory_space<vmem>>, vector<1x1024x128xf32>
    %swap3A_32 = vector.shape_cast %swap3A_31 : vector<1x1024x128xf32> to vector<1024x128xf32>
    %swap3A_33 = vector.shape_cast %transpose3A : vector<1024x128xf32> to vector<1x1024x128xf32>
    tpu.vector_store %arg8[%swap3A_28, %swap3A_29, %swap3A_30], %swap3A_33 {strides = array<i32>} : memref<1x1024x128xf32, #tpu.memory_space<vmem>>, vector<1x1024x128xf32>,
    return
  }
  func.func @transform_0(%arg0: i32, %arg1: i32) -> (i32, i32, i32) {
    %c0_i32 = arith.constant 0 : i32
    %c0_i32_0 = arith.constant 0 : i32
    return %arg0, %c0_i32, %arg1 : i32, i32, i32
  }
  func.func @transform_1(%arg0: i32, %arg1: i32) -> (i32, i32) {
    %c0_i32 = arith.constant 0 : i32
    %c0_i32_0 = arith.constant 0 : i32
    %c0_i32_1 = arith.constant 0 : i32
    return %c0_i32, %c0_i32_0 : i32, i32
  }
  func.func @transform_2(%arg0: i32, %arg1: i32) -> i32 {
    %c0_i32 = arith.constant 0 : i32
    %c0_i32_0 = arith.constant 0 : i32
    return %c0_i32 : i32
  }
  func.func @transform_3(%arg0: i32, %arg1: i32) -> (i32, i32) {
    %c0_i32 = arith.constant 0 : i32
    %c0_i32_0 = arith.constant 0 : i32
    %c0_i32_1 = arith.constant 0 : i32
    return %c0_i32, %c0_i32_0 : i32, i32
  }
  func.func @transform_4(%arg0: i32, %arg1: i32) -> i32 {
    %c0_i32 = arith.constant 0 : i32
    %c0_i32_0 = arith.constant 0 : i32
    return %c0_i32 : i32
  }
  func.func @transform_5(%arg0: i32, %arg1: i32) -> (i32, i32, i32) {
    %c0_i32 = arith.constant 0 : i32
    %c0_i32_0 = arith.constant 0 : i32
    return %arg0, %arg1, %c0_i32 : i32, i32, i32
  }
  func.func @transform_6(%arg0: i32, %arg1: i32) -> (i32, i32, i32) {
    %c0_i32 = arith.constant 0 : i32
    %c0_i32_0 = arith.constant 0 : i32
    return %arg0, %arg1, %c0_i32 : i32, i32, i32
  }
}

module attributes {stable_mosaic.version = 14 : i64} {
  func.func @_proj_body(%arg0: i32, %arg1: i32, %arg2: memref<1x128x256xf32, #tpu.memory_space<vmem>>, %arg3: memref<128x128xf32, #tpu.memory_space<vmem>>, %arg4: memref<128xf32, #tpu.memory_space<vmem>>, %arg5: memref<16x128xf32, #tpu.memory_space<vmem>>, %arg6: memref<16xf32, #tpu.memory_space<vmem>>, %arg7: memref<1x256x16xf32, #tpu.memory_space<vmem>>, %arg8: memref<1x256x128xf32, #tpu.memory_space<vmem>>) attributes {dimension_semantics = [#tpu.dimension_semantics<arbitrary>, #tpu.dimension_semantics<arbitrary>], iteration_bounds = array<i64: 4, 1>, scalar_prefetch = 0 : i64, scratch_operands = 0 : i64, tpu.core_type = #tpu.core_type<tc>, window_params = [{transform_indices = @transform_0, window_bounds = array<i64: 1, 128, 256>}, {pipeline_mode = #tpu.pipeline_mode<synchronous>, transform_indices = @transform_1, window_bounds = array<i64: 128, 128>}, {pipeline_mode = #tpu.pipeline_mode<synchronous>, transform_indices = @transform_2, window_bounds = array<i64: 128>}, {pipeline_mode = #tpu.pipeline_mode<synchronous>, transform_indices = @transform_3, window_bounds = array<i64: 16, 128>}, {pipeline_mode = #tpu.pipeline_mode<synchronous>, transform_indices = @transform_4, window_bounds = array<i64: 16>}, {transform_indices = @transform_5, window_bounds = array<i64: 1, 256, 16>}, {transform_indices = @transform_6, window_bounds = array<i64: 1, 256, 128>}]} {
    %get3A = arith.constant 0 : index
    %get3A_0 = arith.constant 0 : index
    %get3A_1 = arith.constant 0 : index
    %get3A_2 = vector.load %arg2[%get3A, %get3A_0, %get3A_1] : memref<1x128x256xf32, #tpu.memory_space<vmem>>, vector<1x128x256xf32>
    %get3A_3 = vector.shape_cast %get3A_2 : vector<1x128x256xf32> to vector<128x256xf32>
    %get3A_4 = arith.constant 0 : index
    %get3A_5 = arith.constant 0 : index
    %get3A_6 = vector.load %arg3[%get3A_4, %get3A_5] : memref<128x128xf32, #tpu.memory_space<vmem>>, vector<128x128xf32>
    %dot_general3A = arith.constant dense<0.000000e+00> : vector<256x128xf32>
    %dot_general3A_7 = tpu.matmul %get3A_3, %get3A_6, %dot_general3A {dimension_numbers = #tpu.dot_dimension_numbers<[0], [1], [1], [0], [0, 1, 1, 0], [], []>, transpose_lhs_hint = false} : vector<128x256xf32>, vector<128x128xf32>, vector<256x128xf32> -> vector<256x128xf32>
    %get3A_8 = arith.constant 0 : index
    %get3A_9 = vector.load %arg4[%get3A_8] : memref<128xf32, #tpu.memory_space<vmem>>, vector<128xf32>
    %broadcast_in_dim3A = vector.shape_cast %get3A_9 : vector<128xf32> to vector<1x128xf32>
    %add3A = vector.broadcast %broadcast_in_dim3A : vector<1x128xf32> to vector<256x128xf32>
    %add3A_10 = arith.addf %dot_general3A_7, %add3A : vector<256x128xf32>
    %max3A = arith.constant 0.000000e+00 : f32
    %max3A_11 = vector.broadcast %max3A : f32 to vector<256x128xf32>
    %max3A_12 = arith.maximumf %add3A_10, %max3A_11 : vector<256x128xf32>
    %get3A_13 = arith.constant 0 : index
    %get3A_14 = arith.constant 0 : index
    %get3A_15 = vector.load %arg5[%get3A_13, %get3A_14] : memref<16x128xf32, #tpu.memory_space<vmem>>, vector<16x128xf32>
    %dot_general3A_16 = arith.constant dense<0.000000e+00> : vector<256x16xf32>
    %dot_general3A_17 = tpu.matmul %max3A_12, %get3A_15, %dot_general3A_16 {dimension_numbers = #tpu.dot_dimension_numbers<[1], [1], [0], [0], [0, 0, 1, 0], [], []>, transpose_lhs_hint = false} : vector<256x128xf32>, vector<16x128xf32>, vector<256x16xf32> -> vector<256x16xf32>
    %get3A_18 = arith.constant 0 : index
    %get3A_19 = vector.load %arg6[%get3A_18] : memref<16xf32, #tpu.memory_space<vmem>>, vector<16xf32>
    %broadcast_in_dim3A_20 = vector.shape_cast %get3A_19 : vector<16xf32> to vector<1x16xf32>
    %add3A_21 = vector.broadcast %broadcast_in_dim3A_20 : vector<1x16xf32> to vector<256x16xf32>
    %add3A_22 = arith.addf %dot_general3A_17, %add3A_21 : vector<256x16xf32>
    %swap3A = arith.constant 0 : index
    %swap3A_23 = arith.constant 0 : index
    %swap3A_24 = arith.constant 0 : index
    %swap3A_25 = vector.load %arg7[%swap3A, %swap3A_23, %swap3A_24] : memref<1x256x16xf32, #tpu.memory_space<vmem>>, vector<1x256x16xf32>
    %swap3A_26 = vector.shape_cast %swap3A_25 : vector<1x256x16xf32> to vector<256x16xf32>
    %swap3A_27 = vector.shape_cast %add3A_22 : vector<256x16xf32> to vector<1x256x16xf32>
    tpu.vector_store %arg7[%swap3A, %swap3A_23, %swap3A_24], %swap3A_27 {strides = array<i32>} : memref<1x256x16xf32, #tpu.memory_space<vmem>>, vector<1x256x16xf32>,
    %transpose3A = tpu.transpose %get3A_3, [1, 0] : vector<128x256xf32> -> vector<256x128xf32>
    %swap3A_28 = arith.constant 0 : index
    %swap3A_29 = arith.constant 0 : index
    %swap3A_30 = arith.constant 0 : index
    %swap3A_31 = vector.load %arg8[%swap3A_28, %swap3A_29, %swap3A_30] : memref<1x256x128xf32, #tpu.memory_space<vmem>>, vector<1x256x128xf32>
    %swap3A_32 = vector.shape_cast %swap3A_31 : vector<1x256x128xf32> to vector<256x128xf32>
    %swap3A_33 = vector.shape_cast %transpose3A : vector<256x128xf32> to vector<1x256x128xf32>
    tpu.vector_store %arg8[%swap3A_28, %swap3A_29, %swap3A_30], %swap3A_33 {strides = array<i32>} : memref<1x256x128xf32, #tpu.memory_space<vmem>>, vector<1x256x128xf32>,
    return
  }
  func.func @transform_0(%arg0: i32, %arg1: i32) -> (i32, i32, i32) {
    %c0_i32 = arith.constant 0 : i32
    %c0_i32_0 = arith.constant 0 : i32
    return %arg0, %c0_i32, %arg1 : i32, i32, i32
  }
  func.func @transform_1(%arg0: i32, %arg1: i32) -> (i32, i32) {
    %c0_i32 = arith.constant 0 : i32
    %c0_i32_0 = arith.constant 0 : i32
    %c0_i32_1 = arith.constant 0 : i32
    return %c0_i32, %c0_i32_0 : i32, i32
  }
  func.func @transform_2(%arg0: i32, %arg1: i32) -> i32 {
    %c0_i32 = arith.constant 0 : i32
    %c0_i32_0 = arith.constant 0 : i32
    return %c0_i32 : i32
  }
  func.func @transform_3(%arg0: i32, %arg1: i32) -> (i32, i32) {
    %c0_i32 = arith.constant 0 : i32
    %c0_i32_0 = arith.constant 0 : i32
    %c0_i32_1 = arith.constant 0 : i32
    return %c0_i32, %c0_i32_0 : i32, i32
  }
  func.func @transform_4(%arg0: i32, %arg1: i32) -> i32 {
    %c0_i32 = arith.constant 0 : i32
    %c0_i32_0 = arith.constant 0 : i32
    return %c0_i32 : i32
  }
  func.func @transform_5(%arg0: i32, %arg1: i32) -> (i32, i32, i32) {
    %c0_i32 = arith.constant 0 : i32
    %c0_i32_0 = arith.constant 0 : i32
    return %arg0, %arg1, %c0_i32 : i32, i32, i32
  }
  func.func @transform_6(%arg0: i32, %arg1: i32) -> (i32, i32, i32) {
    %c0_i32 = arith.constant 0 : i32
    %c0_i32_0 = arith.constant 0 : i32
    return %arg0, %arg1, %c0_i32 : i32, i32, i32
  }
}

module attributes {stable_mosaic.version = 14 : i64} {
  func.func @_thresh_body(%arg0: memref<4x195840xf32, #tpu.memory_space<vmem>>, %arg1: memref<4x16xf32, #tpu.memory_space<vmem>>) attributes {dimension_semantics = [], scalar_prefetch = 0 : i64, scratch_operands = 0 : i64, tpu.core_type = #tpu.core_type<tc>} {
    %get3A = arith.constant 0 : index
    %get3A_0 = arith.constant 0 : index
    %get3A_1 = vector.load %arg0[%get3A, %get3A_0] : memref<4x195840xf32, #tpu.memory_space<vmem>>, vector<4x195840xf32>
    %broadcast_in_dim3A = arith.constant 0 : i32
    %broadcast_in_dim3A_2 = vector.broadcast %broadcast_in_dim3A : i32 to vector<4x1xi32>
    %broadcast_in_dim3A_3 = arith.constant 1065353217 : i32
    %broadcast_in_dim3A_4 = vector.broadcast %broadcast_in_dim3A_3 : i32 to vector<4x1xi32>
    %scan3A = arith.constant 0 : i32
    %scan3A_5 = arith.constant 31 : i32
    %scan3A_6 = arith.addi %scan3A, %scan3A_5 : i32
    %scan3A_7 = arith.constant 1 : i32
    %scan3A_8:2 = scf.for %scan3A_13 = %scan3A to %scan3A_6 step %scan3A_7 iter_args(%scan3A_14 = %broadcast_in_dim3A_2, %scan3A_15 = %broadcast_in_dim3A_4) -> (vector<4x1xi32>, vector<4x1xi32>)  : i32 {
      %add3A = arith.addi %scan3A_14, %scan3A_15 : vector<4x1xi32>
      %shift_right_arithmetic3A = arith.constant 1 : i32
      %shift_right_arithmetic3A_16 = vector.broadcast %shift_right_arithmetic3A : i32 to vector<4x1xi32>
      %shift_right_arithmetic3A_17 = arith.shrsi %add3A, %shift_right_arithmetic3A_16 : vector<4x1xi32>
      %bitcast_convert_type3A_18 = tpu.bitcast %shift_right_arithmetic3A_17 : vector<4x1xi32> -> vector<4x1xf32>
      %ge3A = vector.broadcast %bitcast_convert_type3A_18 : vector<4x1xf32> to vector<4x195840xf32>
      %ge3A_19 = arith.cmpf oge, %get3A_1, %ge3A : vector<4x195840xf32>
      %convert_element_type3A = arith.extui %ge3A_19 : vector<4x195840xi1> to vector<4x195840xi32>
      %convert_element_type3A_20 = arith.sitofp %convert_element_type3A : vector<4x195840xi32> to vector<4x195840xf32>
      %reduce_sum3A = arith.constant dense<0.000000e+00> : vector<4xf32>
      %reduce_sum3A_21 = vector.multi_reduction <add>, %convert_element_type3A_20, %reduce_sum3A [1] : vector<4x195840xf32> to vector<4xf32>
      %broadcast_in_dim3A_22 = vector.shape_cast %reduce_sum3A_21 : vector<4xf32> to vector<4x1xf32>
      %ge3A_23 = arith.constant 1.000000e+03 : f32
      %ge3A_24 = vector.broadcast %ge3A_23 : f32 to vector<4x1xf32>
      %ge3A_25 = arith.cmpf oge, %broadcast_in_dim3A_22, %ge3A_24 : vector<4x1xf32>
      %select_n3A = arith.select %ge3A_25, %shift_right_arithmetic3A_17, %scan3A_14 : vector<4x1xi1>, vector<4x1xi32>
      %select_n3A_26 = arith.select %ge3A_25, %scan3A_15, %shift_right_arithmetic3A_17 : vector<4x1xi1>, vector<4x1xi32>
      scf.yield %select_n3A, %select_n3A_26 : vector<4x1xi32>, vector<4x1xi32>
    }
    %bitcast_convert_type3A = tpu.bitcast %scan3A_8#0 : vector<4x1xi32> -> vector<4x1xf32>
    %broadcast_in_dim3A_9 = vector.shape_cast %bitcast_convert_type3A : vector<4x1xf32> to vector<4x1xf32>
    %broadcast_in_dim3A_10 = vector.broadcast %broadcast_in_dim3A_9 : vector<4x1xf32> to vector<4x16xf32>
    %swap3A = arith.constant 0 : index
    %swap3A_11 = arith.constant 0 : index
    %swap3A_12 = vector.load %arg1[%swap3A, %swap3A_11] : memref<4x16xf32, #tpu.memory_space<vmem>>, vector<4x16xf32>
    tpu.vector_store %arg1[%swap3A, %swap3A_11], %broadcast_in_dim3A_10 {strides = array<i32>} : memref<4x16xf32, #tpu.memory_space<vmem>>, vector<4x16xf32>,
    return
  }
}

module attributes {stable_mosaic.version = 14 : i64} {
  func.func @_rank_body(%arg0: i32, %arg1: memref<1x1x2048xf32, #tpu.memory_space<vmem>>, %arg2: memref<1x1x2048xi32, #tpu.memory_space<vmem>>, %arg3: memref<1x2048x1xf32, #tpu.memory_space<vmem>>, %arg4: memref<1x2048x1xi32, #tpu.memory_space<vmem>>, %arg5: memref<1x1x1024xi32, #tpu.memory_space<vmem>>, %arg6: memref<1x1x1024xi32, #tpu.memory_space<vmem>>) attributes {dimension_semantics = [#tpu.dimension_semantics<arbitrary>], iteration_bounds = array<i64: 4>, scalar_prefetch = 0 : i64, scratch_operands = 0 : i64, tpu.core_type = #tpu.core_type<tc>, window_params = [{transform_indices = @transform_0, window_bounds = array<i64: 1, 1, 2048>}, {transform_indices = @transform_1, window_bounds = array<i64: 1, 1, 2048>}, {transform_indices = @transform_2, window_bounds = array<i64: 1, 2048, 1>}, {transform_indices = @transform_3, window_bounds = array<i64: 1, 2048, 1>}, {transform_indices = @transform_4, window_bounds = array<i64: 1, 1, 1024>}, {transform_indices = @transform_5, window_bounds = array<i64: 1, 1, 1024>}]} {
    %get3A = arith.constant 0 : index
    %get3A_0 = arith.constant 0 : index
    %get3A_1 = arith.constant 0 : index
    %get3A_2 = vector.load %arg1[%get3A, %get3A_0, %get3A_1] : memref<1x1x2048xf32, #tpu.memory_space<vmem>>, vector<1x1x2048xf32>
    %get3A_3 = vector.shape_cast %get3A_2 : vector<1x1x2048xf32> to vector<1x2048xf32>
    %get3A_4 = arith.constant 0 : index
    %get3A_5 = arith.constant 0 : index
    %get3A_6 = arith.constant 0 : index
    %get3A_7 = vector.load %arg2[%get3A_4, %get3A_5, %get3A_6] : memref<1x1x2048xi32, #tpu.memory_space<vmem>>, vector<1x1x2048xi32>
    %get3A_8 = vector.shape_cast %get3A_7 : vector<1x1x2048xi32> to vector<1x2048xi32>
    %iota3A = tpu.iota {dimensions = array<i32: 1>} : vector<1x1024xi32>
    %convert_element_type3A = arith.sitofp %iota3A : vector<1x1024xi32> to vector<1x1024xf32>
    %broadcast_in_dim3A = arith.constant 0.000000e+00 : f32
    %broadcast_in_dim3A_9 = vector.broadcast %broadcast_in_dim3A : f32 to vector<1x1024xf32>
    %scan3A = arith.constant 0 : i32
    %scan3A_10 = arith.constant 16 : i32
    %scan3A_11 = arith.addi %scan3A, %scan3A_10 : i32
    %scan3A_12 = arith.constant 1 : i32
    %scan3A_13 = scf.for %scan3A_40 = %scan3A to %scan3A_11 step %scan3A_12 iter_args(%scan3A_41 = %broadcast_in_dim3A_9) -> (vector<1x1024xf32>)  : i32 {
      %mul3A_42 = arith.constant 128 : i32
      %mul3A_43 = arith.muli %scan3A_40, %mul3A_42 : i32
      %get3A_44 = arith.constant 0 : index
      %get3A_45 = arith.index_cast %mul3A_43 : i32 to index
      %get3A_46 = arith.constant 0 : index
      %get3A_47 = vector.load %arg3[%get3A_44, %get3A_45, %get3A_46] : memref<1x2048x1xf32, #tpu.memory_space<vmem>>, vector<1x128x1xf32>
      %get3A_48 = vector.shape_cast %get3A_47 : vector<1x128x1xf32> to vector<128x1xf32>
      %mul3A_49 = arith.constant 128 : i32
      %mul3A_50 = arith.muli %scan3A_40, %mul3A_49 : i32
      %get3A_51 = arith.constant 0 : index
      %get3A_52 = arith.index_cast %mul3A_50 : i32 to index
      %get3A_53 = arith.constant 0 : index
      %get3A_54 = vector.load %arg4[%get3A_51, %get3A_52, %get3A_53] : memref<1x2048x1xi32, #tpu.memory_space<vmem>>, vector<1x128x1xi32>
      %get3A_55 = vector.shape_cast %get3A_54 : vector<1x128x1xi32> to vector<128x1xi32>
      %gt3A = vector.broadcast %get3A_3 : vector<1x2048xf32> to vector<128x2048xf32>
      %gt3A_56 = vector.broadcast %get3A_48 : vector<128x1xf32> to vector<128x2048xf32>
      %gt3A_57 = arith.cmpf ogt, %gt3A, %gt3A_56 : vector<128x2048xf32>
      %eq3A = vector.broadcast %get3A_3 : vector<1x2048xf32> to vector<128x2048xf32>
      %eq3A_58 = vector.broadcast %get3A_48 : vector<128x1xf32> to vector<128x2048xf32>
      %eq3A_59 = arith.cmpf oeq, %eq3A, %eq3A_58 : vector<128x2048xf32>
      %lt3A = vector.broadcast %get3A_8 : vector<1x2048xi32> to vector<128x2048xi32>
      %lt3A_60 = vector.broadcast %get3A_55 : vector<128x1xi32> to vector<128x2048xi32>
      %lt3A_61 = arith.cmpi slt, %lt3A, %lt3A_60 : vector<128x2048xi32>
      %and3A = arith.andi %eq3A_59, %lt3A_61 : vector<128x2048xi1>
      %or3A = arith.ori %gt3A_57, %and3A : vector<128x2048xi1>
      %convert_element_type3A_62 = arith.extui %or3A : vector<128x2048xi1> to vector<128x2048xi32>
      %convert_element_type3A_63 = arith.sitofp %convert_element_type3A_62 : vector<128x2048xi32> to vector<128x2048xf32>
      %reduce_sum3A = arith.constant dense<0.000000e+00> : vector<128xf32>
      %reduce_sum3A_64 = vector.multi_reduction <add>, %convert_element_type3A_63, %reduce_sum3A [1] : vector<128x2048xf32> to vector<128xf32>
      %broadcast_in_dim3A_65 = vector.shape_cast %reduce_sum3A_64 : vector<128xf32> to vector<128x1xf32>
      %eq3A_66 = vector.broadcast %broadcast_in_dim3A_65 : vector<128x1xf32> to vector<128x1024xf32>
      %eq3A_67 = vector.broadcast %convert_element_type3A : vector<1x1024xf32> to vector<128x1024xf32>
      %eq3A_68 = arith.cmpf oeq, %eq3A_66, %eq3A_67 : vector<128x1024xf32>
      %convert_element_type3A_69 = arith.extui %eq3A_68 : vector<128x1024xi1> to vector<128x1024xi32>
      %convert_element_type3A_70 = arith.sitofp %convert_element_type3A_69 : vector<128x1024xi32> to vector<128x1024xf32>
      %convert_element_type3A_71 = arith.sitofp %get3A_55 : vector<128x1xi32> to vector<128x1xf32>
      %dot_general3A = arith.constant dense<0.000000e+00> : vector<1x1024xf32>
      %dot_general3A_72 = tpu.matmul %convert_element_type3A_71, %convert_element_type3A_70, %dot_general3A {dimension_numbers = #tpu.dot_dimension_numbers<[0], [0], [1], [1], [0, 1, 1, 1], [], []>, precision = #tpu.contract_precision<fp32>, transpose_lhs_hint = false} : vector<128x1xf32>, vector<128x1024xf32>, vector<1x1024xf32> -> vector<1x1024xf32>
      %add3A_73 = arith.addf %scan3A_41, %dot_general3A_72 : vector<1x1024xf32>
      scf.yield %add3A_73 : vector<1x1024xf32>
    }
    %scan3A_14 = arith.constant 16 : i32
    %convert_element_type3A_15 = arith.fptosi %scan3A_13 : vector<1x1024xf32> to vector<1x1024xi32>
    %add3A = arith.constant 5.000000e-01 : f32
    %add3A_16 = vector.broadcast %add3A : f32 to vector<1x1024xf32>
    %add3A_17 = arith.addf %scan3A_13, %add3A_16 : vector<1x1024xf32>
    %mul3A = arith.constant 0.111111112 : f32
    %mul3A_18 = vector.broadcast %mul3A : f32 to vector<1x1024xf32>
    %mul3A_19 = arith.mulf %add3A_17, %mul3A_18 : vector<1x1024xf32>
    %floor3A = math.floor %mul3A_19 : vector<1x1024xf32>
    %convert_element_type3A_20 = arith.fptosi %floor3A : vector<1x1024xf32> to vector<1x1024xi32>
    %mul3A_21 = arith.constant 195840 : i32
    %mul3A_22 = arith.muli %arg0, %mul3A_21 : i32
    %add3A_23 = vector.broadcast %mul3A_22 : i32 to vector<1x1024xi32>
    %add3A_24 = arith.addi %add3A_23, %convert_element_type3A_15 : vector<1x1024xi32>
    %swap3A = arith.constant 0 : index
    %swap3A_25 = arith.constant 0 : index
    %swap3A_26 = arith.constant 0 : index
    %swap3A_27 = vector.load %arg5[%swap3A, %swap3A_25, %swap3A_26] : memref<1x1x1024xi32, #tpu.memory_space<vmem>>, vector<1x1x1024xi32>
    %swap3A_28 = vector.shape_cast %swap3A_27 : vector<1x1x1024xi32> to vector<1x1024xi32>
    %swap3A_29 = vector.shape_cast %add3A_24 : vector<1x1024xi32> to vector<1x1x1024xi32>
    tpu.vector_store %arg5[%swap3A, %swap3A_25, %swap3A_26], %swap3A_29 {strides = array<i32>} : memref<1x1x1024xi32, #tpu.memory_space<vmem>>, vector<1x1x1024xi32>,
    %mul3A_30 = arith.constant 21760 : i32
    %mul3A_31 = arith.muli %arg0, %mul3A_30 : i32
    %add3A_32 = vector.broadcast %mul3A_31 : i32 to vector<1x1024xi32>
    %add3A_33 = arith.addi %add3A_32, %convert_element_type3A_20 : vector<1x1024xi32>
    %swap3A_34 = arith.constant 0 : index
    %swap3A_35 = arith.constant 0 : index
    %swap3A_36 = arith.constant 0 : index
    %swap3A_37 = vector.load %arg6[%swap3A_34, %swap3A_35, %swap3A_36] : memref<1x1x1024xi32, #tpu.memory_space<vmem>>, vector<1x1x1024xi32>
    %swap3A_38 = vector.shape_cast %swap3A_37 : vector<1x1x1024xi32> to vector<1x1024xi32>
    %swap3A_39 = vector.shape_cast %add3A_33 : vector<1x1024xi32> to vector<1x1x1024xi32>
    tpu.vector_store %arg6[%swap3A_34, %swap3A_35, %swap3A_36], %swap3A_39 {strides = array<i32>} : memref<1x1x1024xi32, #tpu.memory_space<vmem>>, vector<1x1x1024xi32>,
    return
  }
  func.func @transform_0(%arg0: i32) -> (i32, i32, i32) {
    %c0_i32 = arith.constant 0 : i32
    %c0_i32_0 = arith.constant 0 : i32
    %c0_i32_1 = arith.constant 0 : i32
    return %arg0, %c0_i32, %c0_i32_0 : i32, i32, i32
  }
  func.func @transform_1(%arg0: i32) -> (i32, i32, i32) {
    %c0_i32 = arith.constant 0 : i32
    %c0_i32_0 = arith.constant 0 : i32
    %c0_i32_1 = arith.constant 0 : i32
    return %arg0, %c0_i32, %c0_i32_0 : i32, i32, i32
  }
  func.func @transform_2(%arg0: i32) -> (i32, i32, i32) {
    %c0_i32 = arith.constant 0 : i32
    %c0_i32_0 = arith.constant 0 : i32
    %c0_i32_1 = arith.constant 0 : i32
    return %arg0, %c0_i32, %c0_i32_0 : i32, i32, i32
  }
  func.func @transform_3(%arg0: i32) -> (i32, i32, i32) {
    %c0_i32 = arith.constant 0 : i32
    %c0_i32_0 = arith.constant 0 : i32
    %c0_i32_1 = arith.constant 0 : i32
    return %arg0, %c0_i32, %c0_i32_0 : i32, i32, i32
  }
  func.func @transform_4(%arg0: i32) -> (i32, i32, i32) {
    %c0_i32 = arith.constant 0 : i32
    %c0_i32_0 = arith.constant 0 : i32
    %c0_i32_1 = arith.constant 0 : i32
    return %arg0, %c0_i32, %c0_i32_0 : i32, i32, i32
  }
  func.func @transform_5(%arg0: i32) -> (i32, i32, i32) {
    %c0_i32 = arith.constant 0 : i32
    %c0_i32_0 = arith.constant 0 : i32
    %c0_i32_1 = arith.constant 0 : i32
    return %arg0, %c0_i32, %c0_i32_0 : i32, i32, i32
  }
}

</mosaic_0001>

<sc_bundles>
// kernel: kernel.10.cloned.1.call-start
scs
__scs_entry_jumppad:
0x0: {  	(pc) =	sbr.rel $0x88, $3  }
0x1: {  	(tag) =	ssettag $0x0;
	lr =	simm.s32 $0x1  }
0x2: {  	[smem:$0x3F99] =	sst lr;
	_ =	strace $0xD0000000  }
0x3: {  	_ = 	snop  }
0x4: {  	_ = 	snop  }
0x5: {  	_ = 	snop  }
0x6: {  	_ = 	snop  }
0x7: {  	_ = 	snop  }
__scs_overlays_trampoline_lowered:
0x8: {  	[smem:$0x3FA8] =	sst s0  }
0x9: {  	[smem:$0x3FA9] =	sst s1  }
0xa: {  	[smem:$0x3FAA] =	sst s2  }
0xb: {  	[smem:$0x3FAB] =	sst s3  }
0xc: {  	[smem:$0x3FAC] =	sst s4  }
0xd: {  	[smem:$0x3FAD] =	sst s5  }
0xe: {  	[smem:$0x3FAE] =	sst s6  }
0xf: {  	[smem:$0x3FAF] =	sst s7  }
0x10: {  	[smem:$0x3FB0] =	sst s8  }
0x11: {  	[smem:$0x3FB1] =	sst s9;
	s0 =	simm.s32 @!p0 $0x0  }
0x12: {  	s1 =	sld [smem:$0x3F97];
	s0 =	simm.s32 @p0 $0x1  }
0x13: {  	[smem:$0x3FB2] =	sst s0;
	s0 =	simm.s32 @!p1 $0x0  }
0x14: {  	s2 =	sld [smem:$0x3F96];
	s0 =	simm.s32 @p1 $0x1  }
0x15: {  	[smem:$0x3FB3] =	sst s0;
	s0 =	simm.s32 @!p2 $0x0  }
0x16: {  	s3 =	sld [smem:$0x3FDB];
	s0 =	simm.s32 @p2 $0x1  }
0x17: {  	s4 =	simm.s32 $0x1BF5;
	[smem:$0x3FB5] =	sst s0  }
0x18: {  	s0 =	sld [smem:$0x3F98];
	_ =	swait.ge [sflag:s4], $0x0  }
0x19: {  	s7 =	sld [smem:$0x3F99]  }
0x1a: {  	s8 =	sadd.s32 $0xFFFFE003, lr  }
0x1b: {  	s9 =	sadd.s32 $0xFFFFFEF7, lr;
	s5 =	simm.s32 $0xFFFFFFFF;
	p2 =	slt.u32 s8, $0xFFFFF086  }
0x1c: {  	p1 =	slt.u32 s9, $0xF7A;
	s5 =	simm.s32 @!p2 $0x0  }
0x1d: {  	s5 =	simm.s32 @p1 $0x1;
	p0 =	seq.s32 s7, s2  }
0x1e: {  	s7 =	smul.u32 @!p0 $0xF7A, s2;
	p2 =	seq.s32 @!p0 s5, $0x0  }
0x1f: {  	s9 =	smul.u32 $0xF7A, s1;
	s8 =	simm.s32 @!p0 $0x1BF5;
	p2 =	por !p2, p0  }
0x20: {  	[sflag:s8] =	ssyncset.s32 @!p0 $0xFFFFF086;
	s6 =	sadd.s32 @!p0 s3, s7;
	s7 =	simm.s32 @!p0 $0x108  }
0x21: {  	s3 =	sadd.s32 s3, s9;
	s6 =	sadd.s32 @!p0 $0x88, s6;
	s7 =	simm.s32 @p2 $0x1082  }
0x22: {  	[simem:s7], [sflag:s8] =	dma.local @!p0 [hbm:s6], $0xF7A  }
0x23: {  	s9 =	sor.u32 $0xD0000000, s2;
	s6 =	simm.s32 $0x108;
	_ =	swait.ge @!p0 [sflag:s8], $0x0  }
0x24: {  	s3 =	sadd.s32 $0x88, s3;
	s6 =	simm.s32 @!p1 $0x1082;
	[sflag:s4] =	ssyncset.s32 $0xFFFFF086  }
0x25: {  	[simem:s6], [sflag:s4] =	dma.local [hbm:s3], $0xF7A  }
0x26: {  	[smem:$0x3F99] =	sst s1;
	(tag) =	ssettag s2;
	_ =	strace s9  }
0x27: {  	s1 =	sld [smem:$0x3FA9]  }
0x28: {  	s2 =	sld [smem:$0x3FAA]  }
0x29: {  	s4 =	sld [smem:$0x3FAC]  }
0x2a: {  	p0 =	seq.s32 s5, $0x0;
	s5 =	sld [smem:$0x3FAD]  }
0x2b: {  	s6 =	sld [smem:$0x3FAE]  }
0x2c: {  	s7 =	sld [smem:$0x3FAF]  }
0x2d: {  	s3 =	simm.s32 $0x108;
	s8 =	sld [smem:$0x3FB0]  }
0x2e: {  	s3 =	simm.s32 @!p0 $0x1082;
	s9 =	sld [smem:$0x3FB1]  }
0x2f: {  	lr =	sadd.s32 s0, s3;
	s0 =	sld [smem:$0x3FA8]  }
0x30: {  	s3 =	sld [smem:$0x3FAB]  }
0x31: {  	[smem:$0x3FB4] =	sst s10  }
0x32: {  	s10 =	sld [smem:$0x3FB2];
	_ =	sdelay $0x3  }
0x33: {  	p0 =	seq.s32 s10, $0x1;
	s10 =	sld [smem:$0x3FB4];
	_ =	sdelay $0x3  }
0x34: {  	[smem:$0x3FB4] =	sst s10  }
0x35: {  	s10 =	sld [smem:$0x3FB3];
	_ =	sdelay $0x3  }
0x36: {  	p1 =	seq.s32 s10, $0x1;
	s10 =	sld [smem:$0x3FB4];
	_ =	sdelay $0x3  }
0x37: {  	[smem:$0x3FB4] =	sst s10  }
0x38: {  	s10 =	sld [smem:$0x3FB5]  }
0x39: {  	_ = 	snop;
	(pc) =	sbr.ind lr, $3  }
0x3a: {  	_ = 	snop  }
0x3b: {  	_ = 	snop  }
0x3c: {  	p2 =	seq.s32 s10, $0x1;
	s10 =	sld [smem:$0x3FB4]  }
0x3d: {  	_ =	shalt  }
0x3e: {  	_ =	shalt  }
0x3f: {  	_ =	shalt  }
0x40: {  	_ =	shalt  }
0x41: {  	_ =	shalt  }
0x42: {  	_ =	shalt  }
0x43: {  	_ =	shalt  }
0x44: {  	_ =	shalt  }
0x45: {  	_ =	shalt  }
0x46: {  	_ =	shalt  }
0x47: {  	_ =	shalt  }
0x48: {  	_ =	shalt  }
0x49: {  	_ =	shalt  }
0x4a: {  	_ =	shalt  }
0x4b: {  	_ =	shalt  }
0x4c: {  	_ =	shalt  }
0x4d: {  	_ =	shalt  }
0x4e: {  	_ =	shalt  }
0x4f: {  	_ =	shalt  }
0x50: {  	_ =	shalt  }
0x51: {  	_ =	shalt  }
0x52: {  	_ =	shalt  }
0x53: {  	_ =	shalt  }
0x54: {  	_ =	shalt  }
0x55: {  	_ =	shalt  }
0x56: {  	_ =	shalt  }
0x57: {  	_ =	shalt  }
0x58: {  	_ =	shalt  }
0x59: {  	_ =	shalt  }
0x5a: {  	_ =	shalt  }
0x5b: {  	_ =	shalt  }
0x5c: {  	_ =	shalt  }
0x5d: {  	_ =	shalt  }
0x5e: {  	_ =	shalt  }
0x5f: {  	_ =	shalt  }
0x60: {  	_ =	shalt  }
0x61: {  	_ =	shalt  }
0x62: {  	_ =	shalt  }
0x63: {  	_ =	shalt  }
0x64: {  	_ =	shalt  }
0x65: {  	_ =	shalt  }
0x66: {  	_ =	shalt  }
0x67: {  	_ =	shalt  }
0x68: {  	_ =	shalt  }
0x69: {  	_ =	shalt  }
0x6a: {  	_ =	shalt  }
0x6b: {  	_ =	shalt  }
0x6c: {  	_ =	shalt  }
0x6d: {  	_ =	shalt  }
0x6e: {  	_ =	shalt  }
0x6f: {  	_ =	shalt  }
0x70: {  	_ =	shalt  }
0x71: {  	_ =	shalt  }
0x72: {  	_ =	shalt  }
0x73: {  	_ =	shalt  }
0x74: {  	_ =	shalt  }
0x75: {  	_ =	shalt  }
0x76: {  	_ =	shalt  }
0x77: {  	_ =	shalt  }
0x78: {  	_ =	shalt  }
0x79: {  	_ =	shalt  }
0x7a: {  	_ =	shalt  }
0x7b: {  	_ =	shalt  }
0x7c: {  	_ =	shalt  }
0x7d: {  	_ =	shalt  }
0x7e: {  	_ =	shalt  }
0x7f: {  	_ =	shalt  }
0x80: {  	_ =	shalt  }
0x81: {  	_ =	shalt  }
0x82: {  	_ =	shalt  }
0x83: {  	_ =	shalt  }
0x84: {  	_ =	shalt  }
0x85: {  	_ =	shalt  }
0x86: {  	_ =	shalt  }
0x87: {  	_ =	shalt  }
.Lfunc_end0:
.L_simem_size_0:
called_computation_lowered:
.L_overlay_start_0:
0x88: {  	s2 =	sld [smem:$0x3FD9]  }
0x89: {  	s3 =	sld [smem:$0x3FFE];
	_ =	sdelay $0x1  }
0x8a: {  	s1 =	srdreg.scid  }
0x8b: {  	s0 =	sand.u32 $0x1, s1  }
0x8c: {  	s14 =	sshll.u32 s0, $0xA;
	s2 =	sadd.s32 s3, s2  }
0x8d: {  	s2 =	sadd.s32 s2, s14  }
0x8e: {  	[smem:$0x3FC0] =	sst s2  }
0x8f: {  	_ = 	snop  }
0x90: {  	s2 =	sld [smem:$0x3FD0];
	_ =	sdelay $0x2  }
0x91: {  	s15 =	simm.s32 $0xA;
	s4 =	simm.s32 $0x10  }
0x92: {  	[smem:s4], [sflag:s15] =	dma.local [hbm:s2], $0x1  }
0x93: {  	_ =	swait.eq [sflag:s15], $0x1  }
0x94: {  	[sflag:s15] =	ssyncset.done $0x0  }
0x95: {  	s16 =	sld [smem:$0x11];
	[sflag:s15] =	ssyncadd.s32 $0xFFFFFFFF  }
0x96: {  	s17 =	sld [smem:$0x12];
	(tm) =	ssettm $0x1  }
0x97: {  	s18 =	sld [smem:$0x3FFB];
	_ =	sdelay $0x3  }
0x98: {  	_ =	strace s18  }
0x99: {  	s4 =	sld [smem:$0x3FFC];
	_ =	sdelay $0x3  }
0x9a: {  	_ =	strace s4  }
0x9b: {  	s4 =	sld [smem:$0x3FFD];
	_ =	sdelay $0x3  }
0x9c: {  	_ =	strace s4  }
0x9d: {  	_ =	strace $0x8FFFFFFF  }
0x9e: {  	s19 =	sld [smem:$0x3FDB];
	_ =	sdelay $0x1  }
0x9f: {  	s5 =	simm.s32 $_scs_section_size  }
0xa0: {  	s6 =	simm.s32 $_size__tile_overlayer_lowered;
	s7 =	simm.s32 $_tile_overlayer_lowered  }
0xa1: {  	s22 =	simm.s32 $0x1BFF;
	s21 =	sshll.u32 s7, $0x1;
	s4 =	sadd.s32 s5, s19  }
0xa2: {  	s8 =	simm.s32 $0x0;
	s20 =	sshll.u32 s6, $0x1;
	s6 =	sadd.s32 s21, s4  }
0xa3: {  	[timem:s8], [sflag:s22] =	dma.local [hbm:s6], s20  }
0xa4: {  	_ =	swait.ge [sflag:s22], s20  }
0xa5: {  	s5 =	ssub.s32 $0x0, s20;
	[sflag:s22] =	ssyncset.done $0x0  }
0xa6: {  	[sflag:s22] =	ssyncadd.s32 s5;
	_ =	sdelay $0x1  }
0xa7: {  	s23 =	simm.s32 $0x1B8B  }
0xa8: {  	_ =	swait.ge [sflag:s23], $0x1  }
0xa9: {  	[sflag:s23] =	ssyncset.done $0x0  }
0xaa: {  	s25 =	simm.s32 $0x1B8E;
	s24 =	sld [smem:$0x3FFE];
	[sflag:s23] =	ssyncadd.s32 $0xFFFFFFFF  }
0xab: {  	s26 =	simm.s32 $execute0_lowered;
	[smem:$0x3FD2] =	sst s25  }
0xac: {  	s6 =	sshll.u32 s26, $0x1;
	_ =	strace $0x80000046;
	[dreg:$0x1] =	wrdreg $0xFFFFFFFF  }
0xad: {  	s28 =	simm.s32 $_size_execute0_lowered;
	s4 =	sadd.s32 s4, s6;
	[dreg:$0x0] =	wrdreg $0x0  }
0xae: {  	s6 =	sshll.u32 s28, $0x1;
	[dreg:$0x2] =	wrdreg s4  }
0xaf: {  	[dreg:$0x3] =	wrdreg s6  }
0xb0: {  	[dreg:$0x4] =	wrdreg $0xC0  }
0xb1: {  	_ =	task [dreg:s8], $0x5FFFF  }
0xb2: {  	[dreg:$0x1] =	wrdreg $0xFFFFFFFF  }
0xb3: {  	[dreg:$0x0] =	wrdreg $0x60  }
0xb4: {  	[dreg:$0x2] =	wrdreg s24  }
0xb5: {  	[dreg:$0x3] =	wrdreg s16  }
0xb6: {  	[dreg:$0x4] =	wrdreg s17  }
0xb7: {  	[dreg:$0x5] =	wrdreg $0x9  }
0xb8: {  	_ =	task.clear_ibuf [dreg:s8], $0x6FFFF;
	_ =	strace $0x90000046  }
0xb9: {  	s29 =	simm.s32 $0x9;
	_ =	strace $0x80000048  }
0xba: {  	_ =	swait.ge [sflag:s29], $0x1  }
0xbb: {  	[sflag:s29] =	ssyncadd.s32 $0xFFFFFFFF  }
0xbc: {  	_ =	strace $0x90000048  }
0xbd: {  	_ =	sfence  }
0xbe: {  	s30 =	sld [smem:$0x0];
	_ =	sdelay $0x2  }
0xbf: {  	s31 =	sshll.u32 s1, $0xD;
	s1 =	sshrl.u32 s1, $0x2  }
0xc0: {  	s3 =	sand.u32 $0x4000, s31;
	s1 =	sadd.s32 s1, s30  }
0xc1: {  	s0 =	sor.u32 s3, s0;
	s1 =	sshll.u32 s1, $0x11  }
0xc2: {  	s0 =	sor.u32 s1, s0  }
0xc3: {  	s0 =	sadd.s32 $0x8F2B, s0  }
0xc4: {  	[sflag:s0] =	ssyncadd.remote.s32 $0x1  }
0xc5: {  	_ =	sfence.sel $0xFFFF  }
0xc6: {  	[dreg:$0x0] =	wrdreg $0xFFFFFFFF;
	(pc) =	sbr.abs _section_cstart, $3  }
0xc7: {  	[dreg:$0x1] =	wrdreg $0xFFFFFFFF  }
0xc8: {  	_ =	task.clear_ibuf [dreg:s8], $0x2FFFF;
	_ =	strace $0x9FFFFFFF  }
0xc9: {  	(tm) =	ssettm $0x7FFFFFFF  }
tec
execute0_lowered:
.L_overlay_start_1:
0x0: {  	(tag) =	ssettag $0x1  }
0x1: {  	s1 =	stileid.u32  }
0x2: {  	p0 =	sgt.u32 s1, $0x3  }
.Ltmp0:
0x3: {  	s5 =	rddreg [dreg:$0x0];
	(pc) =	sbr.rel @p0 .LBB2_9-.Ltmp0, $4  }
0x4: {  	s8 =	rddreg [dreg:$0x1]  }
0x5: {  	s6 =	rddreg [dreg:$0x2];
	s2 =	simm.s32 $0x0  }
0x6: {  	[smem:$0x7FF] =	sst s2  }
0x7: {  	s0 =	rddreg [dreg:$0x3];
	_ =	strace $0x80000047  }
0x8: {  	s3 =	srdreg.scid;
	s9 =	sshll.u32 s1, $0x1;
	s11 =	smul.u32 $0x2FD00, s1  }
0x9: {  	s14 =	simm.s32 $0x0;
	s7 =	sand.u32 $0x1, s3;
	s3 =	sadd.s32 $0x157000, s5  }
0xa: {  	s8 =	sadd.s32 s8, s9;
	s4 =	sor.u32 s7, s9;
	p0 =	seq.s32 s7, $0x1  }
0xb: {  	s13 =	ssub.s32 $0x2, s7;
	s10 =	sshll.u32 s4, $0x7;
	s4 =	simm.s32 $0x17E80  }
0xc: {  	s31 =	sshrl.u32 s13, $0x1;
	s12 =	sadd.s32 s10, s5;
	s4 =	simm.s32 @!p0 $0x0  }
0xd: {  	s6 =	sadd.s32 s6, s10;
	s10 =	ssub.s32 s13, s31;
	s13 =	simm.s32 $0x5100  }
0xe: {  	s5 =	sadd.s32 s4, s11;
	s7 =	sadd.s32 $0x16F000, s12;
	s9 =	smax.u32 s10, $0x1  }
0xf: {  	v0 =	vimm.f32 $0.0e+00;
	v1 =	vimm.s32 $0x0;
	v2 =	vlaneseq.u32;
	s10 =	simm.s32 $0x4C80;
	s11 =	simm.s32 $0x1;
	s12 =	simm.s32 $0x4D00  }
.LBB2_2:
0x10: {  	s15 =	simm.s32 $0x0  }
0x11: {  	[tilespmem:s10], [sflag:$0x1] =	stream.linear.gather [hbm4b:s8+s15], $0x10, $0x38;
	[tilespmem:$0x5500] =	vst v63  }
0x12: {  	_ =	swait.ge [sflag:s11], $0x10  }
0x13: {  	[sflag:s11] =	ssyncset.done $0x0  }
0x14: {  	[sflag:s11] =	ssyncadd.s32 $0xFFFFFFF0  }
0x15: {  	s16 =	simm.s32 $0x40;
	s17 =	simm.s32 $0x0;
	v4 =	vimm.s32 $0x0;
	v3 =	vld [tilespmem:$0x4C80]  }
.LBB2_3:
0x16: {  	p0 =	sne.s32 s16, $0xFC0;
	[tilespmem:s17+$0x4D00] =	vst v0;
	s18 =	smov.u32 s16;
	s16 =	sadd.s32 $0x40, s16  }
.Ltmp1:
0x17: {  	[tilespmem:s17+$0x5100] =	vst v4;
	(pc) =	sbr.rel @p0 .LBB2_3-.Ltmp1, $2  }
0x18: {  	_ =	sdelay $0x2  }
0x19: {  	s17 =	sshra.s32 s18, $0x2;
	v4 =	vimm.s32 $0x0  }
0x1a: {  	[tilespmem:s17+$0x4D00] =	vst v0  }
0x1b: {  	[tilespmem:s17+$0x5100] =	vst v4;
	s16 =	smov.u32 s4  }
.LBB2_5:
0x1c: {  	s17 =	smul.u32 $0x4C80, s15;
	_ =	sdelay $0x1  }
0x1d: {  	s17 =	sadd.s32 s17, s5  }
0x1e: {  	s17 =	sshrl.u32 s17, $0x3  }
0x1f: {  	s18 =	simm.s32 $0x0;
	s17 =	sadd.s32 s3, s17  }
0x20: {  	[tilespmem:s18], [sflag:$0x1] =	stream.linear.gather [hbm4b:s17+s18], $0x4C80, $0x38;
	[tilespmem:$0x5500] =	vst v63  }
0x21: {  	_ =	swait.ge [sflag:s11], $0x4C80  }
0x22: {  	[sflag:s11] =	ssyncset.done $0x0  }
0x23: {  	s30 =	simm.s32 $0x0;
	[sflag:s11] =	ssyncadd.s32 $0xFFFFB380  }
0x24: {  	v5 =	vld [tilespmem:s30+$0x0];
	_ =	sdelay $0x4  }
0x25: {  	vm0 =	vge.f32 v5, v3  }
0x26: {  	v6 =	vsel vm0, $0x1, v1  }
0x27: {  	(xrf0) =	vadd.scan.msk.s32 $0xffff, v6;
	_ =	sdelay $0x5  }
0x28: {  	v6, _, _ =	vpop (xrf0)  }
0x29: {  	v6 =	vadd.s32 v6, v4  }
0x2a: {  	v6 =	vadd.s32 $0xFFFFFFFF, v6  }
0x2b: {  	vm1 =	vlt.s32 v6, $0x400  }
0x2c: {  	vm0 =	vmand vm0, vm1;
	_ =	sdelay $0x5  }
0x2d: {  	v7 =	vmpcnt.ones.xlane vm0;
	[tilespmem:v6+s12+$0x0] =	vst.idx.msk vm0, v5;
	v5 =	vor.u32 s16, v2  }
0x2e: {  	s31 =	simm.s32 $0x10;
	[tilespmem:v6+s13+$0x0] =	vst.idx.msk vm0, v5  }
0x2f: {  	s18 =	simm.s32 $0x80;
	s17 =	smov.u32 s16;
	v4 =	vadd.s32 v4, v7;
	v5 =	vld [tilespmem:s31+$0x0]  }
.LBB2_6:
0x30: {  	p0 =	sne.s32 s18, $0x131C0;
	_ =	sdelay $0x3  }
0x31: {  	vm0 =	vge.f32 v5, v3  }
0x32: {  	v6 =	vsel vm0, $0x1, v1  }
0x33: {  	(xrf0) =	vadd.scan.msk.s32 $0xffff, v6;
	_ =	sdelay $0x5  }
0x34: {  	v6, _, _ =	vpop (xrf0)  }
0x35: {  	v6 =	vadd.s32 v6, v4  }
0x36: {  	v6 =	vadd.s32 $0xFFFFFFFF, v6  }
0x37: {  	vm1 =	vlt.s32 v6, $0x400  }
0x38: {  	vm0 =	vmand vm0, vm1  }
0x39: {  	v7 =	vmpcnt.ones.xlane vm0;
	_ =	sdelay $0x1  }
0x3a: {  	v4 =	vadd.s32 v4, v7  }
.Ltmp2:
0x3b: {  	(pc) =	sbr.rel @p0 .LBB2_6-.Ltmp2, $4  }
0x3c: {  	s17 =	sadd.s32 $0x10, s17  }
0x3d: {  	v7 =	vor.u32 s17, v2;
	[tilespmem:v6+s12+$0x0] =	vst.idx.msk vm0, v5  }
0x3e: {  	s19 =	sshra.s32 s18, $0x2;
	[tilespmem:v6+s13+$0x0] =	vst.idx.msk vm0, v7  }
0x3f: {  	s18 =	sadd.s32 $0x40, s18;
	v5 =	vld [tilespmem:s19+$0x0]  }
0x40: {  	_ =	sdelay $0x3  }
0x41: {  	vm0 =	vge.f32 v5, v3  }
0x42: {  	v6 =	vsel vm0, $0x1, v1  }
0x43: {  	(xrf0) =	vadd.scan.msk.s32 $0xffff, v6;
	_ =	sdelay $0x5  }
0x44: {  	v6, _, _ =	vpop (xrf0)  }
0x45: {  	v6 =	vadd.s32 v6, v4  }
0x46: {  	v6 =	vadd.s32 $0xFFFFFFFF, v6  }
0x47: {  	vm1 =	vlt.s32 v6, $0x400  }
0x48: {  	vm0 =	vmand vm0, vm1  }
0x49: {  	s15 =	sadd.s32 $0x1, s15  }
0x4a: {  	p0 =	sne.s32 s15, $0x5  }
.Ltmp3:
0x4b: {  	_ = 	snop;
	(pc) =	sbr.rel @p0 .LBB2_5-.Ltmp3, $4  }
0x4c: {  	_ = 	snop  }
0x4d: {  	s17 =	sadd.s32 $0x10, s17;
	v7 =	vmpcnt.ones.xlane vm0  }
0x4e: {  	[tilespmem:v6+s12+$0x0] =	vst.idx.msk vm0, v5;
	v5 =	vor.u32 s17, v2  }
0x4f: {  	s16 =	sadd.s32 $0x4C80, s16;
	v4 =	vadd.s32 v4, v7;
	[tilespmem:v6+s13+$0x0] =	vst.idx.msk vm0, v5  }
0x50: {  	[hbm4b:s6+s2] =	stream.linear.scatter [tilespmem:s12], [sflag:$0x1], $0x400, $0x38;
	[tilespmem:$0x5500] =	vst v63  }
0x51: {  	s14 =	sadd.s32 $0x1, s14;
	_ =	swait.ge [sflag:s11], $0x400  }
0x52: {  	p0 =	sne.s32 s14, s9;
	[sflag:s11] =	ssyncset.done $0x0  }
.Ltmp4:
0x53: {  	[sflag:s11] =	ssyncadd.s32 $0xFFFFFC00;
	(pc) =	sbr.rel @p0 .LBB2_2-.Ltmp4, $4  }
0x54: {  	[hbm4b:s7+s2] =	stream.linear.scatter [tilespmem:s13], [sflag:$0x1], $0x400, $0x38;
	[tilespmem:$0x5500] =	vst v63  }
0x55: {  	_ =	swait.ge [sflag:s11], $0x400  }
0x56: {  	[sflag:s11] =	ssyncset.done $0x0  }
0x57: {  	[sflag:s11] =	ssyncadd.s32 $0xFFFFFC00  }
.LBB2_9:
0x58: {  	_ =	sfence.sel $0x180000  }
0x59: {  	[bflag:$0x0] =	sbarrier.arrive $0xFFFF  }
0x5a: {  	p0 =	sne.s32 s1, $0x0;
	_ =	strace $0x90000047  }
0x5b: {  	s0 =	sadd.s32 @!p0 $0x100000, s0;
	[bflag:$0x2] =	sbarrier.arrive $0xFFFF  }
0x5c: {  	[sflag:s0] =	ssyncadd.tile.s32 @!p0 $0x1;
	_ =	shalt  }
.Lfunc_end2:
_tile_overlayer_lowered:
.L_overlay_start_2:
0x5d: {  	(tag) =	ssettag $0x2  }
0x5e: {  	s0 =	rddreg [dreg:$0x0];
	s2 =	stileid.u32  }
0x5f: {  	s1 =	rddreg [dreg:$0x1];
	p0 =	sne.s32 s2, $0x0  }
0x60: {  	s3 =	rddreg [dreg:$0x2];
	[bflag:$0x3] =	sbarrier.arrive $0xFFFF;
	s2 =	simm.s32 @!p0 $0x1C01  }
0x61: {  	[timem:s3], [sflag:s2] =	dma.local @!p0 [hbm:s0], s1  }
0x62: {  	s0 =	simm.s32 @!p0 $0x1  }
0x63: {  	_ =	swait.ge @!p0 [sflag:s0], s1  }
0x64: {  	s1 =	ssub.s32 @!p0 $0x0, s1;
	[sflag:s0] =	ssyncset.done @!p0 $0x0  }
0x65: {  	[sflag:s0] =	ssyncadd.s32 @!p0 s1  }
0x66: {  	[bflag:$0x3] =	sbarrier.arrive $0xFFFF  }
0x67: {  	_ =	shalt  }

// kernel: kernel.13.cloned.1.call-start
scs
__scs_entry_jumppad:
0x0: {  	(pc) =	sbr.rel $0x88, $3  }
0x1: {  	(tag) =	ssettag $0x0;
	lr =	simm.s32 $0x1  }
0x2: {  	[smem:$0x3F99] =	sst lr;
	_ =	strace $0xD0000000  }
0x3: {  	_ = 	snop  }
0x4: {  	_ = 	snop  }
0x5: {  	_ = 	snop  }
0x6: {  	_ = 	snop  }
0x7: {  	_ = 	snop  }
__scs_overlays_trampoline_lowered:
0x8: {  	[smem:$0x3FA8] =	sst s0  }
0x9: {  	[smem:$0x3FA9] =	sst s1  }
0xa: {  	[smem:$0x3FAA] =	sst s2  }
0xb: {  	[smem:$0x3FAB] =	sst s3  }
0xc: {  	[smem:$0x3FAC] =	sst s4  }
0xd: {  	[smem:$0x3FAD] =	sst s5  }
0xe: {  	[smem:$0x3FAE] =	sst s6  }
0xf: {  	[smem:$0x3FAF] =	sst s7  }
0x10: {  	[smem:$0x3FB0] =	sst s8  }
0x11: {  	[smem:$0x3FB1] =	sst s9;
	s0 =	simm.s32 @!p0 $0x0  }
0x12: {  	s1 =	sld [smem:$0x3F97];
	s0 =	simm.s32 @p0 $0x1  }
0x13: {  	[smem:$0x3FB2] =	sst s0;
	s0 =	simm.s32 @!p1 $0x0  }
0x14: {  	s2 =	sld [smem:$0x3F96];
	s0 =	simm.s32 @p1 $0x1  }
0x15: {  	[smem:$0x3FB3] =	sst s0;
	s0 =	simm.s32 @!p2 $0x0  }
0x16: {  	s3 =	sld [smem:$0x3FDB];
	s0 =	simm.s32 @p2 $0x1  }
0x17: {  	s4 =	simm.s32 $0x1BF5;
	[smem:$0x3FB5] =	sst s0  }
0x18: {  	s0 =	sld [smem:$0x3F98];
	_ =	swait.ge [sflag:s4], $0x0  }
0x19: {  	s7 =	sld [smem:$0x3F99]  }
0x1a: {  	s8 =	sadd.s32 $0xFFFFE003, lr  }
0x1b: {  	s9 =	sadd.s32 $0xFFFFFEF7, lr;
	s5 =	simm.s32 $0xFFFFFFFF;
	p2 =	slt.u32 s8, $0xFFFFF086  }
0x1c: {  	p1 =	slt.u32 s9, $0xF7A;
	s5 =	simm.s32 @!p2 $0x0  }
0x1d: {  	s5 =	simm.s32 @p1 $0x1;
	p0 =	seq.s32 s7, s2  }
0x1e: {  	s7 =	smul.u32 @!p0 $0xF7A, s2;
	p2 =	seq.s32 @!p0 s5, $0x0  }
0x1f: {  	s9 =	smul.u32 $0xF7A, s1;
	s8 =	simm.s32 @!p0 $0x1BF5;
	p2 =	por !p2, p0  }
0x20: {  	[sflag:s8] =	ssyncset.s32 @!p0 $0xFFFFF086;
	s6 =	sadd.s32 @!p0 s3, s7;
	s7 =	simm.s32 @!p0 $0x108  }
0x21: {  	s3 =	sadd.s32 s3, s9;
	s6 =	sadd.s32 @!p0 $0x88, s6;
	s7 =	simm.s32 @p2 $0x1082  }
0x22: {  	[simem:s7], [sflag:s8] =	dma.local @!p0 [hbm:s6], $0xF7A  }
0x23: {  	s9 =	sor.u32 $0xD0000000, s2;
	s6 =	simm.s32 $0x108;
	_ =	swait.ge @!p0 [sflag:s8], $0x0  }
0x24: {  	s3 =	sadd.s32 $0x88, s3;
	s6 =	simm.s32 @!p1 $0x1082;
	[sflag:s4] =	ssyncset.s32 $0xFFFFF086  }
0x25: {  	[simem:s6], [sflag:s4] =	dma.local [hbm:s3], $0xF7A  }
0x26: {  	[smem:$0x3F99] =	sst s1;
	(tag) =	ssettag s2;
	_ =	strace s9  }
0x27: {  	s1 =	sld [smem:$0x3FA9]  }
0x28: {  	s2 =	sld [smem:$0x3FAA]  }
0x29: {  	s4 =	sld [smem:$0x3FAC]  }
0x2a: {  	p0 =	seq.s32 s5, $0x0;
	s5 =	sld [smem:$0x3FAD]  }
0x2b: {  	s6 =	sld [smem:$0x3FAE]  }
0x2c: {  	s7 =	sld [smem:$0x3FAF]  }
0x2d: {  	s3 =	simm.s32 $0x108;
	s8 =	sld [smem:$0x3FB0]  }
0x2e: {  	s3 =	simm.s32 @!p0 $0x1082;
	s9 =	sld [smem:$0x3FB1]  }
0x2f: {  	lr =	sadd.s32 s0, s3;
	s0 =	sld [smem:$0x3FA8]  }
0x30: {  	s3 =	sld [smem:$0x3FAB]  }
0x31: {  	[smem:$0x3FB4] =	sst s10  }
0x32: {  	s10 =	sld [smem:$0x3FB2];
	_ =	sdelay $0x3  }
0x33: {  	p0 =	seq.s32 s10, $0x1;
	s10 =	sld [smem:$0x3FB4];
	_ =	sdelay $0x3  }
0x34: {  	[smem:$0x3FB4] =	sst s10  }
0x35: {  	s10 =	sld [smem:$0x3FB3];
	_ =	sdelay $0x3  }
0x36: {  	p1 =	seq.s32 s10, $0x1;
	s10 =	sld [smem:$0x3FB4];
	_ =	sdelay $0x3  }
0x37: {  	[smem:$0x3FB4] =	sst s10  }
0x38: {  	s10 =	sld [smem:$0x3FB5]  }
0x39: {  	_ = 	snop;
	(pc) =	sbr.ind lr, $3  }
0x3a: {  	_ = 	snop  }
0x3b: {  	_ = 	snop  }
0x3c: {  	p2 =	seq.s32 s10, $0x1;
	s10 =	sld [smem:$0x3FB4]  }
0x3d: {  	_ =	shalt  }
0x3e: {  	_ =	shalt  }
0x3f: {  	_ =	shalt  }
0x40: {  	_ =	shalt  }
0x41: {  	_ =	shalt  }
0x42: {  	_ =	shalt  }
0x43: {  	_ =	shalt  }
0x44: {  	_ =	shalt  }
0x45: {  	_ =	shalt  }
0x46: {  	_ =	shalt  }
0x47: {  	_ =	shalt  }
0x48: {  	_ =	shalt  }
0x49: {  	_ =	shalt  }
0x4a: {  	_ =	shalt  }
0x4b: {  	_ =	shalt  }
0x4c: {  	_ =	shalt  }
0x4d: {  	_ =	shalt  }
0x4e: {  	_ =	shalt  }
0x4f: {  	_ =	shalt  }
0x50: {  	_ =	shalt  }
0x51: {  	_ =	shalt  }
0x52: {  	_ =	shalt  }
0x53: {  	_ =	shalt  }
0x54: {  	_ =	shalt  }
0x55: {  	_ =	shalt  }
0x56: {  	_ =	shalt  }
0x57: {  	_ =	shalt  }
0x58: {  	_ =	shalt  }
0x59: {  	_ =	shalt  }
0x5a: {  	_ =	shalt  }
0x5b: {  	_ =	shalt  }
0x5c: {  	_ =	shalt  }
0x5d: {  	_ =	shalt  }
0x5e: {  	_ =	shalt  }
0x5f: {  	_ =	shalt  }
0x60: {  	_ =	shalt  }
0x61: {  	_ =	shalt  }
0x62: {  	_ =	shalt  }
0x63: {  	_ =	shalt  }
0x64: {  	_ =	shalt  }
0x65: {  	_ =	shalt  }
0x66: {  	_ =	shalt  }
0x67: {  	_ =	shalt  }
0x68: {  	_ =	shalt  }
0x69: {  	_ =	shalt  }
0x6a: {  	_ =	shalt  }
0x6b: {  	_ =	shalt  }
0x6c: {  	_ =	shalt  }
0x6d: {  	_ =	shalt  }
0x6e: {  	_ =	shalt  }
0x6f: {  	_ =	shalt  }
0x70: {  	_ =	shalt  }
0x71: {  	_ =	shalt  }
0x72: {  	_ =	shalt  }
0x73: {  	_ =	shalt  }
0x74: {  	_ =	shalt  }
0x75: {  	_ =	shalt  }
0x76: {  	_ =	shalt  }
0x77: {  	_ =	shalt  }
0x78: {  	_ =	shalt  }
0x79: {  	_ =	shalt  }
0x7a: {  	_ =	shalt  }
0x7b: {  	_ =	shalt  }
0x7c: {  	_ =	shalt  }
0x7d: {  	_ =	shalt  }
0x7e: {  	_ =	shalt  }
0x7f: {  	_ =	shalt  }
0x80: {  	_ =	shalt  }
0x81: {  	_ =	shalt  }
0x82: {  	_ =	shalt  }
0x83: {  	_ =	shalt  }
0x84: {  	_ =	shalt  }
0x85: {  	_ =	shalt  }
0x86: {  	_ =	shalt  }
0x87: {  	_ =	shalt  }
.Lfunc_end0:
.L_simem_size_0:
called_computation.1_lowered:
.L_overlay_start_0:
0x88: {  	s2 =	sld [smem:$0x3FD9]  }
0x89: {  	s3 =	sld [smem:$0x3FFE];
	_ =	sdelay $0x1  }
0x8a: {  	s1 =	srdreg.scid  }
0x8b: {  	s0 =	sand.u32 $0x1, s1  }
0x8c: {  	s14 =	sshll.u32 s0, $0xA;
	s2 =	sadd.s32 s3, s2  }
0x8d: {  	s2 =	sadd.s32 s2, s14  }
0x8e: {  	[smem:$0x3FC0] =	sst s2  }
0x8f: {  	_ = 	snop  }
0x90: {  	s2 =	sld [smem:$0x3FD0];
	_ =	sdelay $0x2  }
0x91: {  	s15 =	simm.s32 $0xA;
	s4 =	simm.s32 $0x10  }
0x92: {  	[smem:s4], [sflag:s15] =	dma.local [hbm:s2], $0x1  }
0x93: {  	_ =	swait.eq [sflag:s15], $0x1  }
0x94: {  	[sflag:s15] =	ssyncset.done $0x0  }
0x95: {  	[sflag:s15] =	ssyncadd.s32 $0xFFFFFFFF  }
0x96: {  	s16 =	sld [smem:$0x12];
	(tm) =	ssettm $0x1  }
0x97: {  	s17 =	sld [smem:$0x3FFB];
	_ =	sdelay $0x3  }
0x98: {  	_ =	strace s17  }
0x99: {  	s3 =	sld [smem:$0x3FFC];
	_ =	sdelay $0x3  }
0x9a: {  	_ =	strace s3  }
0x9b: {  	s3 =	sld [smem:$0x3FFD];
	_ =	sdelay $0x3  }
0x9c: {  	_ =	strace s3  }
0x9d: {  	_ =	strace $0x8FFFFFFF  }
0x9e: {  	s18 =	sld [smem:$0x3FDB];
	_ =	sdelay $0x1  }
0x9f: {  	s19 =	simm.s32 $_scs_section_size  }
0xa0: {  	s5 =	simm.s32 $_size__tile_overlayer_lowered;
	s6 =	simm.s32 $_tile_overlayer_lowered  }
0xa1: {  	s22 =	simm.s32 $0x1BFF;
	s21 =	sshll.u32 s6, $0x1;
	s3 =	sadd.s32 s19, s18  }
0xa2: {  	s7 =	simm.s32 $0x0;
	s20 =	sshll.u32 s5, $0x1;
	s5 =	sadd.s32 s21, s3  }
0xa3: {  	[timem:s7], [sflag:s22] =	dma.local [hbm:s5], s20  }
0xa4: {  	_ =	swait.ge [sflag:s22], s20  }
0xa5: {  	s4 =	ssub.s32 $0x0, s20;
	[sflag:s22] =	ssyncset.done $0x0  }
0xa6: {  	[sflag:s22] =	ssyncadd.s32 s4;
	_ =	sdelay $0x1  }
0xa7: {  	s23 =	simm.s32 $0x1B8B  }
0xa8: {  	_ =	swait.ge [sflag:s23], $0x1  }
0xa9: {  	[sflag:s23] =	ssyncset.done $0x0  }
0xaa: {  	s25 =	simm.s32 $0x1B8E;
	s24 =	sld [smem:$0x3FFE];
	[sflag:s23] =	ssyncadd.s32 $0xFFFFFFFF  }
0xab: {  	s26 =	simm.s32 $execute0_lowered;
	[smem:$0x3FD2] =	sst s25  }
0xac: {  	s5 =	sshll.u32 s26, $0x1;
	_ =	strace $0x80000049;
	[dreg:$0x1] =	wrdreg $0xFFFFFFFF  }
0xad: {  	s28 =	simm.s32 $_size_execute0_lowered;
	s3 =	sadd.s32 s3, s5;
	[dreg:$0x0] =	wrdreg $0x0  }
0xae: {  	s5 =	sshll.u32 s28, $0x1;
	[dreg:$0x2] =	wrdreg s3  }
0xaf: {  	[dreg:$0x3] =	wrdreg s5  }
0xb0: {  	[dreg:$0x4] =	wrdreg $0xC0  }
0xb1: {  	_ =	task [dreg:s7], $0x5FFFF  }
0xb2: {  	[dreg:$0x1] =	wrdreg $0xFFFFFFFF  }
0xb3: {  	[dreg:$0x0] =	wrdreg $0x60  }
0xb4: {  	[dreg:$0x2] =	wrdreg s24  }
0xb5: {  	[dreg:$0x3] =	wrdreg s16  }
0xb6: {  	[dreg:$0x4] =	wrdreg $0x9  }
0xb7: {  	_ =	task.clear_ibuf [dreg:s7], $0x5FFFF;
	_ =	strace $0x90000049  }
0xb8: {  	s29 =	simm.s32 $0x9;
	_ =	strace $0x8000004B  }
0xb9: {  	_ =	swait.ge [sflag:s29], $0x1  }
0xba: {  	[sflag:s29] =	ssyncadd.s32 $0xFFFFFFFF  }
0xbb: {  	_ =	strace $0x9000004B  }
0xbc: {  	_ =	sfence  }
0xbd: {  	s30 =	sld [smem:$0x0];
	_ =	sdelay $0x2  }
0xbe: {  	s31 =	sshll.u32 s1, $0xD;
	s1 =	sshrl.u32 s1, $0x2  }
0xbf: {  	s3 =	sand.u32 $0x4000, s31;
	s1 =	sadd.s32 s1, s30  }
0xc0: {  	s0 =	sor.u32 s3, s0;
	s1 =	sshll.u32 s1, $0x11  }
0xc1: {  	s0 =	sor.u32 s1, s0  }
0xc2: {  	s0 =	sadd.s32 $0x8F2B, s0  }
0xc3: {  	[sflag:s0] =	ssyncadd.remote.s32 $0x1  }
0xc4: {  	_ =	sfence.sel $0xFFFF  }
0xc5: {  	[dreg:$0x0] =	wrdreg $0xFFFFFFFF;
	(pc) =	sbr.abs _section_cstart, $3  }
0xc6: {  	[dreg:$0x1] =	wrdreg $0xFFFFFFFF  }
0xc7: {  	_ =	task.clear_ibuf [dreg:s7], $0x2FFFF;
	_ =	strace $0x9FFFFFFF  }
0xc8: {  	(tm) =	ssettm $0x7FFFFFFF  }
0xc9: {  	_ =	shalt  }
tec
execute0_lowered:
.L_overlay_start_1:
0x0: {  	(tag) =	ssettag $0x1  }
0x1: {  	s1 =	srdreg.scid  }
0x2: {  	s8 =	rddreg [dreg:$0x0];
	s0 =	stileid.u32  }
0x3: {  	s3 =	rddreg [dreg:$0x1];
	s2 =	simm.s32 $0x0;
	s6 =	sand.u32 $0x1, s1  }
0x4: {  	s4 =	sshll.u32 s0, $0x8;
	s1 =	rddreg [dreg:$0x2];
	s5 =	sshll.u32 s6, $0x7  }
0x5: {  	s7 =	simm.s32 $0x1;
	[smem:$0x7FF] =	sst s2;
	s9 =	sor.u32 s5, s4  }
0x6: {  	_ =	strace $0x8000004A;
	s10 =	ssub.s32 $0x2, s6;
	s4 =	sshrl.u32 s9, $0x3  }
0x7: {  	s6 =	simm.s32 $0x80;
	s4 =	sadd.s32 s3, s4;
	s3 =	simm.s32 $0x2  }
0x8: {  	[tilespmem:s2], [sflag:$0x2] =	stream.linear.gather [hbm4b:s4+s2], $0x80, $0x38;
	[tilespmem:$0x4080] =	vst v63  }
0x9: {  	s5 =	sadd.s32 $0x3000, s8;
	s11 =	sshrl.u32 s10, $0x1;
	_ =	swait.ge [sflag:s3], $0x80  }
0xa: {  	s9 =	sshll.u32 s9, $0x4;
	s31 =	ssub.s32 s10, s11;
	[sflag:s3] =	ssyncset.done $0x0  }
0xb: {  	s8 =	sadd.s32 s9, s8;
	s9 =	smax.u32 s31, $0x1;
	[sflag:s3] =	ssyncadd.s32 $0xFFFFFF80  }
0xc: {  	[tilespmem:s6], [sflag:$0x1] =	stream.indirect.gather [hbm4b:s5+s6], $0x80, s2, s6, $0xb8;
	[tilespmem:$0x4080] =	vst v63  }
0xd: {  	p0 =	sne.s32 s9, $0x1;
	_ =	swait.ge [sflag:s7], $0x4000  }
.Ltmp0:
0xe: {  	[sflag:s7] =	ssyncset.done $0x0;
	(pc) =	sbr.rel @!p0 .LBB2_2-.Ltmp0, $4  }
0xf: {  	s8 =	sadd.s32 $0x157000, s8;
	[sflag:s7] =	ssyncadd.s32 $0xFFFFC000  }
0x10: {  	[hbm4b:s8+s2] =	stream.linear.scatter [tilespmem:s6], [sflag:$0x2], $0x4000, $0x38;
	[tilespmem:$0x4080] =	vst v63  }
0x11: {  	_ =	swait.ge [sflag:s3], $0x4000  }
0x12: {  	s9 =	sadd.s32 $0xFFFFFFFF, s9;
	[sflag:s3] =	ssyncset.done $0x0  }
.LBB2_1:
0x13: {  	p0 =	sne.s32 s9, $0x1;
	s9 =	sadd.s32 $0xFFFFFFFF, s9;
	[sflag:s3] =	ssyncadd.s32 $0xFFFFC000  }
0x14: {  	[tilespmem:s2], [sflag:$0x2] =	stream.linear.gather [hbm4b:s4+s2], $0x80, $0x38;
	[tilespmem:$0x4080] =	vst v63  }
0x15: {  	_ =	swait.ge [sflag:s3], $0x80  }
0x16: {  	[sflag:s3] =	ssyncset.done $0x0  }
0x17: {  	[sflag:s3] =	ssyncadd.s32 $0xFFFFFF80  }
0x18: {  	[tilespmem:s6], [sflag:$0x1] =	stream.indirect.gather [hbm4b:s5+s6], $0x80, s2, s6, $0xb8;
	[tilespmem:$0x4080] =	vst v63  }
0x19: {  	_ =	swait.ge [sflag:s7], $0x4000  }
.Ltmp1:
0x1a: {  	[sflag:s7] =	ssyncset.done $0x0;
	(pc) =	sbr.rel @p0 .LBB2_1-.Ltmp1, $4  }
0x1b: {  	[sflag:s7] =	ssyncadd.s32 $0xFFFFC000  }
0x1c: {  	[hbm4b:s8+s2] =	stream.linear.scatter [tilespmem:s6], [sflag:$0x2], $0x4000, $0x38;
	[tilespmem:$0x4080] =	vst v63  }
0x1d: {  	_ =	swait.ge [sflag:s3], $0x4000  }
0x1e: {  	[sflag:s3] =	ssyncset.done $0x0  }
.LBB2_2:
0x1f: {  	[sflag:s3] =	ssyncadd.s32 $0xFFFFC000  }
0x20: {  	_ =	sfence.sel $0x180000  }
0x21: {  	[bflag:$0x0] =	sbarrier.arrive $0xFFFF  }
0x22: {  	p0 =	sne.s32 s0, $0x0;
	_ =	strace $0x9000004A  }
0x23: {  	s0 =	sadd.s32 @!p0 $0x100000, s1;
	[bflag:$0x2] =	sbarrier.arrive $0xFFFF  }
0x24: {  	[sflag:s0] =	ssyncadd.tile.s32 @!p0 $0x1;
	_ =	shalt  }
.Lfunc_end2:
_tile_overlayer_lowered:
.L_overlay_start_2:
0x25: {  	(tag) =	ssettag $0x2  }
0x26: {  	s0 =	rddreg [dreg:$0x0];
	s2 =	stileid.u32  }
0x27: {  	s1 =	rddreg [dreg:$0x1];
	p0 =	sne.s32 s2, $0x0  }
0x28: {  	s3 =	rddreg [dreg:$0x2];
	[bflag:$0x3] =	sbarrier.arrive $0xFFFF;
	s2 =	simm.s32 @!p0 $0x1C02  }
0x29: {  	[timem:s3], [sflag:s2] =	dma.local @!p0 [hbm:s0], s1  }
0x2a: {  	s0 =	simm.s32 @!p0 $0x2  }
0x2b: {  	_ =	swait.ge @!p0 [sflag:s0], s1  }
0x2c: {  	s1 =	ssub.s32 @!p0 $0x0, s1;
	[sflag:s0] =	ssyncset.done @!p0 $0x0  }
0x2d: {  	[sflag:s0] =	ssyncadd.s32 @!p0 s1  }
0x2e: {  	[bflag:$0x3] =	sbarrier.arrive $0xFFFF  }
0x2f: {  	_ =	shalt  }

</sc_bundles>
